<compile_context>
chip_gen: v7x
topology: tpu7x:2x2x1
jax: 0.10.2.dev20260603
libtpu: 0.0.44.dev20260713+nightly
codegen_flags: <defaults>
</compile_context>

<pallas_src>
import functools

import jax
import jax.numpy as jnp
from jax import lax
from jax.experimental import pallas as pl
from jax.experimental.pallas import tpu as pltpu
from jax.experimental.pallas import tpu_sc as plsc

_K = 8192
_D = 32
_EPS = 1e-5
_TOK_BLK = 128
_K_BLK = 512
_K_STEPS = _K // _K_BLK
_N_TOK = 6272
_N_BLKS = _N_TOK // _TOK_BLK
_PAD_TOK = 8192
_GLANES = 128
_LOSS_SCALE = 1.25 / (_N_TOK * _D)



def _vq_tc_body(q_ref, e_ref, he_ref, closest_ref, loss_ref):
    i = pl.program_id(0)
    q = q_ref[...]
    q_bf = q.astype(jnp.bfloat16)
    kiota = lax.broadcasted_iota(jnp.int32, (_TOK_BLK, _K_BLK), 1)

    bv = jnp.full((_TOK_BLK, 1), -jnp.inf, jnp.float32)
    bi = jnp.zeros((_TOK_BLK, 1), jnp.int32)
    for j in range(_K_STEPS):
        dot = lax.dot_general(q_bf, e_ref[pl.ds(j * _K_BLK, _K_BLK), :],
                              (((1,), (1,)), ((), ())),
                              preferred_element_type=jnp.float32)
        s = dot - he_ref[j, :][None, :]
        m = jnp.max(s, axis=1, keepdims=True)
        cand = jnp.where(s == m, kiota, _K_BLK)
        li = jnp.min(cand, axis=1, keepdims=True) + j * _K_BLK
        better = m > bv
        bi = jnp.where(better, li, bi)
        bv = jnp.where(better, m, bv)
    closest_ref[0, :, :] = bi

    blk_loss = jnp.sum(q * q) - 2.0 * jnp.sum(bv)
    prev = jnp.where(i == 0, jnp.zeros((1, 1), jnp.float32), loss_ref[...])
    tot = prev + blk_loss
    loss_ref[...] = jnp.where(i == _N_BLKS - 1, tot * _LOSS_SCALE, tot)


def _vq_argmin_loss(q2d, emb_bf, he):
    closest3d, loss2d = pl.pallas_call(
        _vq_tc_body,
        grid=(_N_BLKS,),
        in_specs=[
            pl.BlockSpec((_TOK_BLK, _D), lambda i: (i, 0)),
            pl.BlockSpec((_K, _D), lambda i: (0, 0)),
            pl.BlockSpec((_K_STEPS, _K_BLK), lambda i: (0, 0)),
        ],
        out_specs=[
            pl.BlockSpec((1, _TOK_BLK, 1), lambda i: (i, 0, 0)),
            pl.BlockSpec((1, 1), lambda i: (0, 0)),
        ],
        out_shape=[
            jax.ShapeDtypeStruct((_N_BLKS, _TOK_BLK, 1), jnp.int32),
            jax.ShapeDtypeStruct((1, 1), jnp.float32),
        ],
    )(q2d, emb_bf, he)
    return closest3d.reshape(-1), loss2d[0, 0]



def _sc_gather(table, idx_padded):
    info = plsc.get_sparse_core_info()
    nw = info.num_cores * info.num_subcores
    bpw = _PAD_TOK // nw
    nch = bpw // _GLANES
    mesh = plsc.VectorSubcoreMesh(core_axis_name="c", subcore_axis_name="s")

    @functools.partial(
        pl.kernel, mesh=mesh,
        out_type=jax.ShapeDtypeStruct((_PAD_TOK, _D), jnp.float32),
        scratch_types=[
            pltpu.VMEM((nch, _GLANES), jnp.int32),
            pltpu.VMEM((nch, _GLANES, _D), jnp.float32),
            pltpu.SemaphoreType.DMA,
        ],
        compiler_params=pltpu.CompilerParams(use_tc_tiling_on_sc=False),
    )
    def gather(table_hbm, idx_hbm, out_hbm, idx_v, rows_v, sem):
        wid = lax.axis_index("s") * info.num_cores + lax.axis_index("c")
        base = wid * bpw
        pltpu.sync_copy(
            idx_hbm.at[pl.ds(wid * nch, nch)], idx_v)
        copies = [pltpu.async_copy(table_hbm.at[idx_v.at[j]], rows_v.at[j], sem)
                  for j in range(nch)]
        for j in range(nch):
            copies[j].wait()
            pltpu.sync_copy(
                rows_v.at[j], out_hbm.at[pl.ds(base + j * _GLANES, _GLANES)])

    return gather(table, idx_padded.reshape(nw * nch, _GLANES))



def _conv(x, w, b, stride, pad):
    out = lax.conv_general_dilated(
        x, w, (stride, stride), ((pad, pad), (pad, pad)),
        dimension_numbers=('NCHW', 'OIHW', 'NCHW'))
    return out + b[None, :, None, None]


def _convT(x, w, b, stride, pad):
    k = w.shape[2]
    w2 = jnp.transpose(jnp.flip(w, axis=(2, 3)), (1, 0, 2, 3))
    out = lax.conv_general_dilated(
        x, w2, (1, 1), ((k - 1 - pad, k - 1 - pad), (k - 1 - pad, k - 1 - pad)),
        lhs_dilation=(stride, stride), dimension_numbers=('NCHW', 'OIHW', 'NCHW'))
    return out + b[None, :, None, None]


def _bn(x, g, b):
    m = jnp.mean(x, axis=(0, 2, 3), keepdims=True)
    v = jnp.var(x, axis=(0, 2, 3), keepdims=True)
    return (x - m) / jnp.sqrt(v + _EPS) * g[None, :, None, None] + b[None, :, None, None]


def _relu(x):
    return jnp.maximum(x, 0.0)


def _encoder(x, p):
    h = _relu(_bn(_conv(x, p['enc_c1_w'], p['enc_c1_b'], 2, 1), p['enc_bn1_g'], p['enc_bn1_b']))
    h = _relu(_bn(_conv(h, p['enc_c2_w'], p['enc_c2_b'], 2, 1), p['enc_bn2_g'], p['enc_bn2_b']))
    h = h + _relu(_bn(_conv(h, p['enc_r1_w'], p['enc_r1_b'], 1, 1), p['enc_r1bn_g'], p['enc_r1bn_b']))
    h = h + _relu(_bn(_conv(h, p['enc_r2_w'], p['enc_r2_b'], 1, 0), p['enc_r2bn_g'], p['enc_r2bn_b']))
    return _conv(h, p['enc_proj_w'], p['enc_proj_b'], 1, 0)


def _decoder(z, p):
    h = _conv(z, p['dec_proj_w'], p['dec_proj_b'], 1, 0)
    h = h + _relu(_bn(_conv(h, p['dec_r1_w'], p['dec_r1_b'], 1, 1), p['dec_r1bn_g'], p['dec_r1bn_b']))
    h = h + _relu(_bn(_conv(h, p['dec_r2_w'], p['dec_r2_b'], 1, 1), p['dec_r2bn_g'], p['dec_r2bn_b']))
    h = _relu(_bn(_convT(h, p['dec_ct1_w'], p['dec_ct1_b'], 2, 1), p['dec_ctbn_g'], p['dec_ctbn_b']))
    h = _convT(h, p['dec_ct2_w'], p['dec_ct2_b'], 2, 1)
    return jax.nn.sigmoid(h)



def kernel(x, params):
    enc = _encoder(x, params)
    b, c, hh, ww = enc.shape
    q2d = enc.reshape(-1, _D)
    emb = params['emb']
    emb_bf = emb.astype(jnp.bfloat16)
    he = (0.5 * jnp.sum(emb * emb, -1)).reshape(_K_STEPS, _K_BLK)
    closest_flat, qloss = _vq_argmin_loss(q2d, emb_bf, he)
    idx_padded = jnp.concatenate(
        [closest_flat, jnp.zeros((_PAD_TOK - _N_TOK,), jnp.int32)])
    quant = _sc_gather(emb, idx_padded)[:_N_TOK]
    quant_out = (q2d + (quant - q2d)).reshape(b, c, hh, ww)
    out = _decoder(quant_out, params)
    closest = closest_flat.reshape(b, -1)
    return out, closest, qloss

# --- scband reference (transcript-rebuilt; emitter-appended) ---
"""Pipeline reference for scband-vqvae-29927332118617 (READ-ONLY COPY).

The authoritative reference and input builder live on the scoring server;
editing this copy changes nothing except your own understanding.
"""

import jax, jax.numpy as jnp
import numpy as np

K = 8192; D = 32; HID = 256; CH = 3; B = 2; HW = 224
_EPS = 1e-5


def _conv(x, w, b, stride, pad):
    out = jax.lax.conv_general_dilated(x, w, (stride, stride), ((pad, pad), (pad, pad)), dimension_numbers=('NCHW', 'OIHW', 'NCHW'))
    return out + b[None, :, None, None]


def _convT(x, w, b, stride, pad):
    # torch ConvTranspose2d weight layout (in, out, kH, kW); emulate with flipped kernel + lhs dilation
    k = w.shape[2]
    w2 = jnp.transpose(jnp.flip(w, axis=(2, 3)), (1, 0, 2, 3))
    out = jax.lax.conv_general_dilated(x, w2, (1, 1), ((k - 1 - pad, k - 1 - pad), (k - 1 - pad, k - 1 - pad)), lhs_dilation=(stride, stride), dimension_numbers=('NCHW', 'OIHW', 'NCHW'))
    return out + b[None, :, None, None]


def _bn(x, g, b):
    # BatchNorm2d in training mode: per-batch biased statistics
    m = jnp.mean(x, axis=(0, 2, 3), keepdims=True)
    v = jnp.var(x, axis=(0, 2, 3), keepdims=True)
    return (x - m) / jnp.sqrt(v + _EPS) * g[None, :, None, None] + b[None, :, None, None]


def _relu(x):
    return jnp.maximum(x, 0.0)


def _encoder(x, p):
    h = _relu(_bn(_conv(x, p['enc_c1_w'], p['enc_c1_b'], 2, 1), p['enc_bn1_g'], p['enc_bn1_b']))
    h = _relu(_bn(_conv(h, p['enc_c2_w'], p['enc_c2_b'], 2, 1), p['enc_bn2_g'], p['enc_bn2_b']))
    h = h + _relu(_bn(_conv(h, p['enc_r1_w'], p['enc_r1_b'], 1, 1), p['enc_r1bn_g'], p['enc_r1bn_b']))
    h = h + _relu(_bn(_conv(h, p['enc_r2_w'], p['enc_r2_b'], 1, 0), p['enc_r2bn_g'], p['enc_r2bn_b']))
    return _conv(h, p['enc_proj_w'], p['enc_proj_b'], 1, 0)


def _decoder(z, p):
    h = _conv(z, p['dec_proj_w'], p['dec_proj_b'], 1, 0)
    h = h + _relu(_bn(_conv(h, p['dec_r1_w'], p['dec_r1_b'], 1, 1), p['dec_r1bn_g'], p['dec_r1bn_b']))
    h = h + _relu(_bn(_conv(h, p['dec_r2_w'], p['dec_r2_b'], 1, 1), p['dec_r2bn_g'], p['dec_r2bn_b']))
    h = _relu(_bn(_convT(h, p['dec_ct1_w'], p['dec_ct1_b'], 2, 1), p['dec_ctbn_g'], p['dec_ctbn_b']))
    h = _convT(h, p['dec_ct2_w'], p['dec_ct2_b'], 2, 1)
    return jax.nn.sigmoid(h)


def _vqvae(x, p):
    enc = _encoder(x, p)
    b, c, hh, ww = enc.shape
    q = enc.reshape(b, -1, c)
    e = p['emb']
    # torch.cdist (p=2) via expansion to avoid materializing B*N*K*D
    d2 = jnp.sum(q * q, -1)[:, :, None] + jnp.sum(e * e, -1)[None, None, :] - 2.0 * jnp.einsum('bnd,kd->bnk', q, e)
    dists = jnp.sqrt(jnp.maximum(d2, 0.0))
    closest = jnp.argmin(jax.lax.stop_gradient(dists), axis=-1)
    quantized = jnp.take(e, closest, axis=0)
    encf = enc.reshape(b, -1, D)
    commitment = jnp.mean((jax.lax.stop_gradient(quantized) - encf) ** 2)
    codebook = jnp.mean((quantized - jax.lax.stop_gradient(encf)) ** 2)
    qloss = codebook + 0.25 * commitment
    quant_out = encf + jax.lax.stop_gradient(quantized - encf)
    quant_out = quant_out.reshape(b, c, hh, ww)
    out = _decoder(quant_out, p)
    return out, closest, qloss


def setup_inputs(seed: int = 0) -> dict:
    key = jax.random.key(seed)
    ks = jax.random.split(key, 12)
    def w(k, shape, s=0.05):
        return jax.random.normal(k, shape, jnp.float32) * s
    z = lambda n: jnp.zeros((n,), jnp.float32)
    o = lambda n: jnp.ones((n,), jnp.float32)
    params = {
        'enc_c1_w': w(ks[0], (HID, CH, 4, 4)), 'enc_c1_b': z(HID),
        'enc_bn1_g': o(HID), 'enc_bn1_b': z(HID),
        'enc_c2_w': w(ks[1], (HID, HID, 4, 4)), 'enc_c2_b': z(HID),
        'enc_bn2_g': o(HID), 'enc_bn2_b': z(HID),
        'enc_r1_w': w(ks[2], (HID, HID, 3, 3)), 'enc_r1_b': z(HID),
        'enc_r1bn_g': o(HID), 'enc_r1bn_b': z(HID),
        'enc_r2_w': w(ks[3], (HID, HID, 1, 1)), 'enc_r2_b': z(HID),
        'enc_r2bn_g': o(HID), 'enc_r2bn_b': z(HID),
        'enc_proj_w': w(ks[4], (D, HID, 1, 1)), 'enc_proj_b': z(D),
        'emb': w(ks[5], (K, D), 1.0),
        'dec_proj_w': w(ks[6], (HID, D, 1, 1)), 'dec_proj_b': z(HID),
        'dec_r1_w': w(ks[7], (HID, HID, 3, 3)), 'dec_r1_b': z(HID),
        'dec_r1bn_g': o(HID), 'dec_r1bn_b': z(HID),
        'dec_r2_w': w(ks[8], (HID, HID, 3, 3)), 'dec_r2_b': z(HID),
        'dec_r2bn_g': o(HID), 'dec_r2bn_b': z(HID),
        'dec_ct1_w': w(ks[9], (HID, HID, 4, 4)), 'dec_ct1_b': z(HID),
        'dec_ctbn_g': o(HID), 'dec_ctbn_b': z(HID),
        'dec_ct2_w': w(ks[10], (HID, CH, 4, 4)), 'dec_ct2_b': z(CH),
    }
    x = jax.random.normal(ks[11], (B, CH, HW, HW), jnp.float32)
    return {'x': x, 'params': params}


def reference(x, params):
    out, closest, qloss = _vqvae(x, params)
    return out, closest, qloss

if __name__ == "__main__":
    import jax
    _d = setup_inputs()
    print(jax.jit(kernel)(*tuple(_d.values())))

</pallas_src>

<mosaic_0001>
#map = affine_map<(d0, d1) -> (0, 0)>
module attributes {stable_mosaic.version = 14 : i64} {
  func.func @gather(%arg0: i32, %arg1: i32, %arg2: memref<8192x32xf32, #tpu.memory_space<hbm>>, %arg3: memref<64x128xi32, #tpu.memory_space<hbm>>, %arg4: memref<8192x32xf32, #tpu.memory_space<hbm>>, %arg5: memref<2x128xi32, #tpu.memory_space<vmem>>, %arg6: memref<2x128x32xf32, #tpu.memory_space<vmem>>, %arg7: memref<!tpu.dma_semaphore, #tpu.memory_space<semaphore_mem>>) attributes {dimension_semantics = [#tpu.dimension_semantics<core_parallel>, #tpu.dimension_semantics<subcore_parallel>], iteration_bounds = array<i64: 2, 16>, scalar_prefetch = 0 : i64, scratch_operands = 3 : i64, tpu.core_type = #tpu.core_type<sc_vector_subcore>, window_params = [{transform_indices = #map}, {transform_indices = #map}, {transform_indices = #map}]} {
    %mul3A = arith.constant 2 : i32
    %mul3A_0 = arith.muli %arg1, %mul3A : i32
    %add3A = arith.addi %mul3A_0, %arg0 : i32
    %mul3A_1 = arith.constant 256 : i32
    %mul3A_2 = arith.muli %add3A, %mul3A_1 : i32
    %mul3A_3 = arith.constant 2 : i32
    %mul3A_4 = arith.muli %add3A, %mul3A_3 : i32
    "tpu.region"() ({
      %run_scoped3A_56 = tpu.sem_alloc : memref<!tpu.dma_semaphore, #tpu.memory_space<semaphore_mem>>
      %dma_start3A_57 = arith.constant 0 : i32
      %dma_start3A_58 = tpu.memref_slice %arg3[%mul3A_4, %dma_start3A_57] : memref<64x128xi32, #tpu.memory_space<hbm>> -> memref<2x128xi32, #tpu.memory_space<hbm>>
      %dma_start3A_59 = arith.constant 0 : i32
      %dma_start3A_60 = tpu.memref_slice %arg3[%mul3A_4, %dma_start3A_59] : memref<64x128xi32, #tpu.memory_space<hbm>> -> memref<2x128xi32, #tpu.memory_space<hbm>>
      tpu.enqueue_dma source(%dma_start3A_60 : memref<2x128xi32, #tpu.memory_space<hbm>>) target(%arg5 : memref<2x128xi32, #tpu.memory_space<vmem>>) target_semaphore(%run_scoped3A_56 : memref<!tpu.dma_semaphore, #tpu.memory_space<semaphore_mem>>)
      %dma_wait3A_61 = arith.constant 0 : i32
      %dma_wait3A_62 = tpu.memref_slice %arg3[%mul3A_4, %dma_wait3A_61] : memref<64x128xi32, #tpu.memory_space<hbm>> -> memref<2x128xi32, #tpu.memory_space<hbm>>
      %dma_wait3A_63 = arith.constant 0 : i32
      %dma_wait3A_64 = tpu.memref_slice %arg3[%mul3A_4, %dma_wait3A_63] : memref<64x128xi32, #tpu.memory_space<hbm>> -> memref<2x128xi32, #tpu.memory_space<hbm>>
      tpu.wait_dma2 semaphore(%run_scoped3A_56 : memref<!tpu.dma_semaphore, #tpu.memory_space<semaphore_mem>>) src(%dma_wait3A_64 : memref<2x128xi32, #tpu.memory_space<hbm>>) dst(%arg5 : memref<2x128xi32, #tpu.memory_space<vmem>>)
      tpu.yield
    }) : () -> ()
    %dma_start3A = arith.constant 0 : i32
    %dma_start3A_5 = arith.constant 0 : i32
    %dma_start3A_6 = arith.constant 0 : i32
    %dma_start3A_7 = arith.constant 0 : i32
    %dma_start3A_8 = tpu.memref_slice %arg6[%dma_start3A_5, %dma_start3A_6, %dma_start3A_7] : memref<2x128x32xf32, #tpu.memory_space<vmem>> -> memref<1x128x32xf32, #tpu.memory_space<vmem>>
    %dma_start3A_9 = tpu.memref_squeeze %dma_start3A_8 : memref<1x128x32xf32, #tpu.memory_space<vmem>> -> memref<128x32xf32, #tpu.memory_space<vmem>>
    %dma_start3A_10 = arith.constant 0 : i32
    %dma_start3A_11 = tpu.memref_slice %arg5[%dma_start3A, %dma_start3A_10] : memref<2x128xi32, #tpu.memory_space<vmem>> -> memref<1x128xi32, #tpu.memory_space<vmem>>
    %dma_start3A_12 = tpu.memref_squeeze %dma_start3A_11 : memref<1x128xi32, #tpu.memory_space<vmem>> -> memref<128xi32, #tpu.memory_space<vmem>>
    %dma_start3A_13 = arith.constant 0 : i32
    %dma_start3A_14 = arith.constant 0 : i32
    %dma_start3A_15 = tpu.memref_slice %arg2[%dma_start3A_13, %dma_start3A_14] : memref<8192x32xf32, #tpu.memory_space<hbm>> -> memref<8192x32xf32, #tpu.memory_space<hbm>>
    tpu.enqueue_indirect_dma source(%dma_start3A_15 : memref<8192x32xf32, #tpu.memory_space<hbm>>) target(%dma_start3A_9 : memref<128x32xf32, #tpu.memory_space<vmem>>) offsets(%dma_start3A_12 : memref<128xi32, #tpu.memory_space<vmem>>) semaphore(%arg7 : memref<!tpu.dma_semaphore, #tpu.memory_space<semaphore_mem>>)
    %dma_start3A_16 = arith.constant 1 : i32
    %dma_start3A_17 = arith.constant 1 : i32
    %dma_start3A_18 = arith.constant 0 : i32
    %dma_start3A_19 = arith.constant 0 : i32
    %dma_start3A_20 = tpu.memref_slice %arg6[%dma_start3A_17, %dma_start3A_18, %dma_start3A_19] : memref<2x128x32xf32, #tpu.memory_space<vmem>> -> memref<1x128x32xf32, #tpu.memory_space<vmem>>
    %dma_start3A_21 = tpu.memref_squeeze %dma_start3A_20 : memref<1x128x32xf32, #tpu.memory_space<vmem>> -> memref<128x32xf32, #tpu.memory_space<vmem>>
    %dma_start3A_22 = arith.constant 0 : i32
    %dma_start3A_23 = tpu.memref_slice %arg5[%dma_start3A_16, %dma_start3A_22] : memref<2x128xi32, #tpu.memory_space<vmem>> -> memref<1x128xi32, #tpu.memory_space<vmem>>
    %dma_start3A_24 = tpu.memref_squeeze %dma_start3A_23 : memref<1x128xi32, #tpu.memory_space<vmem>> -> memref<128xi32, #tpu.memory_space<vmem>>
    %dma_start3A_25 = arith.constant 0 : i32
    %dma_start3A_26 = arith.constant 0 : i32
    %dma_start3A_27 = tpu.memref_slice %arg2[%dma_start3A_25, %dma_start3A_26] : memref<8192x32xf32, #tpu.memory_space<hbm>> -> memref<8192x32xf32, #tpu.memory_space<hbm>>
    tpu.enqueue_indirect_dma source(%dma_start3A_27 : memref<8192x32xf32, #tpu.memory_space<hbm>>) target(%dma_start3A_21 : memref<128x32xf32, #tpu.memory_space<vmem>>) offsets(%dma_start3A_24 : memref<128xi32, #tpu.memory_space<vmem>>) semaphore(%arg7 : memref<!tpu.dma_semaphore, #tpu.memory_space<semaphore_mem>>)
    %dma_wait3A = arith.constant 0 : i32
    %dma_wait3A_28 = arith.constant 0 : i32
    %dma_wait3A_29 = arith.constant 0 : i32
    %dma_wait3A_30 = arith.constant 0 : i32
    %dma_wait3A_31 = tpu.memref_slice %arg6[%dma_wait3A_28, %dma_wait3A_29, %dma_wait3A_30] : memref<2x128x32xf32, #tpu.memory_space<vmem>> -> memref<1x128x32xf32, #tpu.memory_space<vmem>>
    %dma_wait3A_32 = tpu.memref_squeeze %dma_wait3A_31 : memref<1x128x32xf32, #tpu.memory_space<vmem>> -> memref<128x32xf32, #tpu.memory_space<vmem>>
    %dma_wait3A_33 = arith.constant 0 : i32
    %dma_wait3A_34 = tpu.memref_slice %arg5[%dma_wait3A, %dma_wait3A_33] : memref<2x128xi32, #tpu.memory_space<vmem>> -> memref<1x128xi32, #tpu.memory_space<vmem>>
    %dma_wait3A_35 = tpu.memref_squeeze %dma_wait3A_34 : memref<1x128xi32, #tpu.memory_space<vmem>> -> memref<128xi32, #tpu.memory_space<vmem>>
    %dma_wait3A_36 = arith.constant 0 : i32
    %dma_wait3A_37 = arith.constant 0 : i32
    %dma_wait3A_38 = tpu.memref_slice %arg2[%dma_wait3A_36, %dma_wait3A_37] : memref<8192x32xf32, #tpu.memory_space<hbm>> -> memref<8192x32xf32, #tpu.memory_space<hbm>>
    tpu.wait_indirect_dma semaphore(%arg7 : memref<!tpu.dma_semaphore, #tpu.memory_space<semaphore_mem>>) src(%dma_wait3A_38 : memref<8192x32xf32, #tpu.memory_space<hbm>>) dst(%dma_wait3A_32 : memref<128x32xf32, #tpu.memory_space<vmem>>)
    %add3A_39 = arith.constant 0 : i32
    %add3A_40 = arith.addi %mul3A_2, %add3A_39 : i32
    %run_scoped3A = arith.constant 0 : i32
    "tpu.region"() ({
      %run_scoped3A_56 = tpu.sem_alloc : memref<!tpu.dma_semaphore, #tpu.memory_space<semaphore_mem>>
      %dma_start3A_57 = arith.constant 0 : i32
      %dma_start3A_58 = arith.constant 0 : i32
      %dma_start3A_59 = tpu.memref_slice %arg6[%run_scoped3A, %dma_start3A_57, %dma_start3A_58] : memref<2x128x32xf32, #tpu.memory_space<vmem>> -> memref<1x128x32xf32, #tpu.memory_space<vmem>>
      %dma_start3A_60 = tpu.memref_squeeze %dma_start3A_59 : memref<1x128x32xf32, #tpu.memory_space<vmem>> -> memref<128x32xf32, #tpu.memory_space<vmem>>
      %dma_start3A_61 = arith.constant 0 : i32
      %dma_start3A_62 = tpu.memref_slice %arg4[%add3A_40, %dma_start3A_61] : memref<8192x32xf32, #tpu.memory_space<hbm>> -> memref<128x32xf32, #tpu.memory_space<hbm>>
      %dma_start3A_63 = arith.constant 0 : i32
      %dma_start3A_64 = tpu.memref_slice %arg4[%add3A_40, %dma_start3A_63] : memref<8192x32xf32, #tpu.memory_space<hbm>> -> memref<128x32xf32, #tpu.memory_space<hbm>>
      %dma_start3A_65 = arith.constant 0 : i32
      %dma_start3A_66 = arith.constant 0 : i32
      %dma_start3A_67 = tpu.memref_slice %arg6[%run_scoped3A, %dma_start3A_65, %dma_start3A_66] : memref<2x128x32xf32, #tpu.memory_space<vmem>> -> memref<1x128x32xf32, #tpu.memory_space<vmem>>
      %dma_start3A_68 = tpu.memref_squeeze %dma_start3A_67 : memref<1x128x32xf32, #tpu.memory_space<vmem>> -> memref<128x32xf32, #tpu.memory_space<vmem>>
      tpu.enqueue_dma source(%dma_start3A_68 : memref<128x32xf32, #tpu.memory_space<vmem>>) target(%dma_start3A_64 : memref<128x32xf32, #tpu.memory_space<hbm>>) target_semaphore(%run_scoped3A_56 : memref<!tpu.dma_semaphore, #tpu.memory_space<semaphore_mem>>)
      %dma_wait3A_69 = arith.constant 0 : i32
      %dma_wait3A_70 = arith.constant 0 : i32
      %dma_wait3A_71 = tpu.memref_slice %arg6[%run_scoped3A, %dma_wait3A_69, %dma_wait3A_70] : memref<2x128x32xf32, #tpu.memory_space<vmem>> -> memref<1x128x32xf32, #tpu.memory_space<vmem>>
      %dma_wait3A_72 = tpu.memref_squeeze %dma_wait3A_71 : memref<1x128x32xf32, #tpu.memory_space<vmem>> -> memref<128x32xf32, #tpu.memory_space<vmem>>
      %dma_wait3A_73 = arith.constant 0 : i32
      %dma_wait3A_74 = tpu.memref_slice %arg4[%add3A_40, %dma_wait3A_73] : memref<8192x32xf32, #tpu.memory_space<hbm>> -> memref<128x32xf32, #tpu.memory_space<hbm>>
      %dma_wait3A_75 = arith.constant 0 : i32
      %dma_wait3A_76 = tpu.memref_slice %arg4[%add3A_40, %dma_wait3A_75] : memref<8192x32xf32, #tpu.memory_space<hbm>> -> memref<128x32xf32, #tpu.memory_space<hbm>>
      %dma_wait3A_77 = arith.constant 0 : i32
      %dma_wait3A_78 = arith.constant 0 : i32
      %dma_wait3A_79 = tpu.memref_slice %arg6[%run_scoped3A, %dma_wait3A_77, %dma_wait3A_78] : memref<2x128x32xf32, #tpu.memory_space<vmem>> -> memref<1x128x32xf32, #tpu.memory_space<vmem>>
      %dma_wait3A_80 = tpu.memref_squeeze %dma_wait3A_79 : memref<1x128x32xf32, #tpu.memory_space<vmem>> -> memref<128x32xf32, #tpu.memory_space<vmem>>
      tpu.wait_dma2 semaphore(%run_scoped3A_56 : memref<!tpu.dma_semaphore, #tpu.memory_space<semaphore_mem>>) src(%dma_wait3A_80 : memref<128x32xf32, #tpu.memory_space<vmem>>) dst(%dma_wait3A_76 : memref<128x32xf32, #tpu.memory_space<hbm>>)
      tpu.yield
    }) : () -> ()
    %dma_wait3A_41 = arith.constant 1 : i32
    %dma_wait3A_42 = arith.constant 1 : i32
    %dma_wait3A_43 = arith.constant 0 : i32
    %dma_wait3A_44 = arith.constant 0 : i32
    %dma_wait3A_45 = tpu.memref_slice %arg6[%dma_wait3A_42, %dma_wait3A_43, %dma_wait3A_44] : memref<2x128x32xf32, #tpu.memory_space<vmem>> -> memref<1x128x32xf32, #tpu.memory_space<vmem>>
    %dma_wait3A_46 = tpu.memref_squeeze %dma_wait3A_45 : memref<1x128x32xf32, #tpu.memory_space<vmem>> -> memref<128x32xf32, #tpu.memory_space<vmem>>
    %dma_wait3A_47 = arith.constant 0 : i32
    %dma_wait3A_48 = tpu.memref_slice %arg5[%dma_wait3A_41, %dma_wait3A_47] : memref<2x128xi32, #tpu.memory_space<vmem>> -> memref<1x128xi32, #tpu.memory_space<vmem>>
    %dma_wait3A_49 = tpu.memref_squeeze %dma_wait3A_48 : memref<1x128xi32, #tpu.memory_space<vmem>> -> memref<128xi32, #tpu.memory_space<vmem>>
    %dma_wait3A_50 = arith.constant 0 : i32
    %dma_wait3A_51 = arith.constant 0 : i32
    %dma_wait3A_52 = tpu.memref_slice %arg2[%dma_wait3A_50, %dma_wait3A_51] : memref<8192x32xf32, #tpu.memory_space<hbm>> -> memref<8192x32xf32, #tpu.memory_space<hbm>>
    tpu.wait_indirect_dma semaphore(%arg7 : memref<!tpu.dma_semaphore, #tpu.memory_space<semaphore_mem>>) src(%dma_wait3A_52 : memref<8192x32xf32, #tpu.memory_space<hbm>>) dst(%dma_wait3A_46 : memref<128x32xf32, #tpu.memory_space<vmem>>)
    %add3A_53 = arith.constant 128 : i32
    %add3A_54 = arith.addi %mul3A_2, %add3A_53 : i32
    %run_scoped3A_55 = arith.constant 1 : i32
    "tpu.region"() ({
      %run_scoped3A_56 = tpu.sem_alloc : memref<!tpu.dma_semaphore, #tpu.memory_space<semaphore_mem>>
      %dma_start3A_57 = arith.constant 0 : i32
      %dma_start3A_58 = arith.constant 0 : i32
      %dma_start3A_59 = tpu.memref_slice %arg6[%run_scoped3A_55, %dma_start3A_57, %dma_start3A_58] : memref<2x128x32xf32, #tpu.memory_space<vmem>> -> memref<1x128x32xf32, #tpu.memory_space<vmem>>
      %dma_start3A_60 = tpu.memref_squeeze %dma_start3A_59 : memref<1x128x32xf32, #tpu.memory_space<vmem>> -> memref<128x32xf32, #tpu.memory_space<vmem>>
      %dma_start3A_61 = arith.constant 0 : i32
      %dma_start3A_62 = tpu.memref_slice %arg4[%add3A_54, %dma_start3A_61] : memref<8192x32xf32, #tpu.memory_space<hbm>> -> memref<128x32xf32, #tpu.memory_space<hbm>>
      %dma_start3A_63 = arith.constant 0 : i32
      %dma_start3A_64 = tpu.memref_slice %arg4[%add3A_54, %dma_start3A_63] : memref<8192x32xf32, #tpu.memory_space<hbm>> -> memref<128x32xf32, #tpu.memory_space<hbm>>
      %dma_start3A_65 = arith.constant 0 : i32
      %dma_start3A_66 = arith.constant 0 : i32
      %dma_start3A_67 = tpu.memref_slice %arg6[%run_scoped3A_55, %dma_start3A_65, %dma_start3A_66] : memref<2x128x32xf32, #tpu.memory_space<vmem>> -> memref<1x128x32xf32, #tpu.memory_space<vmem>>
      %dma_start3A_68 = tpu.memref_squeeze %dma_start3A_67 : memref<1x128x32xf32, #tpu.memory_space<vmem>> -> memref<128x32xf32, #tpu.memory_space<vmem>>
      tpu.enqueue_dma source(%dma_start3A_68 : memref<128x32xf32, #tpu.memory_space<vmem>>) target(%dma_start3A_64 : memref<128x32xf32, #tpu.memory_space<hbm>>) target_semaphore(%run_scoped3A_56 : memref<!tpu.dma_semaphore, #tpu.memory_space<semaphore_mem>>)
      %dma_wait3A_69 = arith.constant 0 : i32
      %dma_wait3A_70 = arith.constant 0 : i32
      %dma_wait3A_71 = tpu.memref_slice %arg6[%run_scoped3A_55, %dma_wait3A_69, %dma_wait3A_70] : memref<2x128x32xf32, #tpu.memory_space<vmem>> -> memref<1x128x32xf32, #tpu.memory_space<vmem>>
      %dma_wait3A_72 = tpu.memref_squeeze %dma_wait3A_71 : memref<1x128x32xf32, #tpu.memory_space<vmem>> -> memref<128x32xf32, #tpu.memory_space<vmem>>
      %dma_wait3A_73 = arith.constant 0 : i32
      %dma_wait3A_74 = tpu.memref_slice %arg4[%add3A_54, %dma_wait3A_73] : memref<8192x32xf32, #tpu.memory_space<hbm>> -> memref<128x32xf32, #tpu.memory_space<hbm>>
      %dma_wait3A_75 = arith.constant 0 : i32
      %dma_wait3A_76 = tpu.memref_slice %arg4[%add3A_54, %dma_wait3A_75] : memref<8192x32xf32, #tpu.memory_space<hbm>> -> memref<128x32xf32, #tpu.memory_space<hbm>>
      %dma_wait3A_77 = arith.constant 0 : i32
      %dma_wait3A_78 = arith.constant 0 : i32
      %dma_wait3A_79 = tpu.memref_slice %arg6[%run_scoped3A_55, %dma_wait3A_77, %dma_wait3A_78] : memref<2x128x32xf32, #tpu.memory_space<vmem>> -> memref<1x128x32xf32, #tpu.memory_space<vmem>>
      %dma_wait3A_80 = tpu.memref_squeeze %dma_wait3A_79 : memref<1x128x32xf32, #tpu.memory_space<vmem>> -> memref<128x32xf32, #tpu.memory_space<vmem>>
      tpu.wait_dma2 semaphore(%run_scoped3A_56 : memref<!tpu.dma_semaphore, #tpu.memory_space<semaphore_mem>>) src(%dma_wait3A_80 : memref<128x32xf32, #tpu.memory_space<vmem>>) dst(%dma_wait3A_76 : memref<128x32xf32, #tpu.memory_space<hbm>>)
      tpu.yield
    }) : () -> ()
    return
  }
}

module attributes {stable_mosaic.version = 14 : i64} {
  func.func @_vq_tc_body(%arg0: i32, %arg1: memref<128x32xf32, #tpu.memory_space<vmem>>, %arg2: memref<8192x32xbf16, #tpu.memory_space<vmem>>, %arg3: memref<16x512xf32, #tpu.memory_space<vmem>>, %arg4: memref<1x128x1xi32, #tpu.memory_space<vmem>>, %arg5: memref<1x1xf32, #tpu.memory_space<vmem>>) attributes {dimension_semantics = [#tpu.dimension_semantics<arbitrary>], iteration_bounds = array<i64: 49>, scalar_prefetch = 0 : i64, scratch_operands = 0 : i64, tpu.core_type = #tpu.core_type<tc>, window_params = [{transform_indices = @transform_0, window_bounds = array<i64: 128, 32>}, {pipeline_mode = #tpu.pipeline_mode<synchronous>, transform_indices = @transform_1, window_bounds = array<i64: 8192, 32>}, {pipeline_mode = #tpu.pipeline_mode<synchronous>, transform_indices = @transform_2, window_bounds = array<i64: 16, 512>}, {transform_indices = @transform_3, window_bounds = array<i64: 1, 128, 1>}, {pipeline_mode = #tpu.pipeline_mode<synchronous>, transform_indices = @transform_4, window_bounds = array<i64: 1, 1>}]} {
    %get3A = arith.constant 0 : index
    %get3A_0 = arith.constant 0 : index
    %get3A_1 = vector.load %arg1[%get3A, %get3A_0] : memref<128x32xf32, #tpu.memory_space<vmem>>, vector<128x32xf32>
    %convert_element_type3A = arith.truncf %get3A_1 : vector<128x32xf32> to vector<128x32xbf16>
    %iota3A = tpu.iota {dimensions = array<i32: 1>} : vector<128x512xi32>
    %broadcast_in_dim3A = arith.constant 0xFF800000 : f32
    %broadcast_in_dim3A_2 = vector.broadcast %broadcast_in_dim3A : f32 to vector<128x1xf32>
    %broadcast_in_dim3A_3 = arith.constant 0 : i32
    %broadcast_in_dim3A_4 = vector.broadcast %broadcast_in_dim3A_3 : i32 to vector<128x1xi32>
    %get3A_5 = arith.constant 0 : index
    %get3A_6 = arith.constant 0 : index
    %get3A_7 = vector.load %arg2[%get3A_5, %get3A_6] : memref<8192x32xbf16, #tpu.memory_space<vmem>>, vector<512x32xbf16>
    %dot_general3A = arith.constant dense<0.000000e+00> : vector<128x512xf32>
    %dot_general3A_8 = tpu.matmul %convert_element_type3A, %get3A_7, %dot_general3A {dimension_numbers = #tpu.dot_dimension_numbers<[1], [1], [0], [0], [0, 0, 1, 0], [], []>, transpose_lhs_hint = false} : vector<128x32xbf16>, vector<512x32xbf16>, vector<128x512xf32> -> vector<128x512xf32>
    %get3A_9 = arith.constant 0 : index
    %get3A_10 = arith.constant 0 : index
    %get3A_11 = vector.load %arg3[%get3A_9, %get3A_10] : memref<16x512xf32, #tpu.memory_space<vmem>>, vector<1x512xf32>
    %get3A_12 = vector.shape_cast %get3A_11 : vector<1x512xf32> to vector<512xf32>
    %broadcast_in_dim3A_13 = vector.shape_cast %get3A_12 : vector<512xf32> to vector<1x512xf32>
    %sub3A = vector.broadcast %broadcast_in_dim3A_13 : vector<1x512xf32> to vector<128x512xf32>
    %sub3A_14 = arith.subf %dot_general3A_8, %sub3A : vector<128x512xf32>
    %reduce_max3A = arith.constant dense<0xFF800000> : vector<128xf32>
    %reduce_max3A_15 = vector.multi_reduction <maximumf>, %sub3A_14, %reduce_max3A [1] : vector<128x512xf32> to vector<128xf32>
    %broadcast_in_dim3A_16 = vector.shape_cast %reduce_max3A_15 : vector<128xf32> to vector<128x1xf32>
    %eq3A = vector.broadcast %broadcast_in_dim3A_16 : vector<128x1xf32> to vector<128x512xf32>
    %eq3A_17 = arith.cmpf oeq, %sub3A_14, %eq3A : vector<128x512xf32>
    %jit3A = arith.constant 512 : i32
    %broadcast_in_dim3A_18 = vector.broadcast %jit3A : i32 to vector<128x512xi32>
    %select_n3A = arith.select %eq3A_17, %iota3A, %broadcast_in_dim3A_18 : vector<128x512xi1>, vector<128x512xi32>
    %reduce_min3A = arith.constant dense<2147483647> : vector<128xi32>
    %reduce_min3A_19 = vector.multi_reduction <minsi>, %select_n3A, %reduce_min3A [1] : vector<128x512xi32> to vector<128xi32>
    %broadcast_in_dim3A_20 = vector.shape_cast %reduce_min3A_19 : vector<128xi32> to vector<128x1xi32>
    %add3A = arith.constant 0 : i32
    %add3A_21 = vector.broadcast %add3A : i32 to vector<128x1xi32>
    %add3A_22 = arith.addi %broadcast_in_dim3A_20, %add3A_21 : vector<128x1xi32>
    %gt3A = arith.cmpf ogt, %broadcast_in_dim3A_16, %broadcast_in_dim3A_2 : vector<128x1xf32>
    %select_n3A_23 = arith.select %gt3A, %add3A_22, %broadcast_in_dim3A_4 : vector<128x1xi1>, vector<128x1xi32>
    %select_n3A_24 = arith.select %gt3A, %broadcast_in_dim3A_16, %broadcast_in_dim3A_2 : vector<128x1xi1>, vector<128x1xf32>
    %get3A_25 = arith.constant 512 : index
    %get3A_26 = arith.constant 0 : index
    %get3A_27 = vector.load %arg2[%get3A_25, %get3A_26] : memref<8192x32xbf16, #tpu.memory_space<vmem>>, vector<512x32xbf16>
    %dot_general3A_28 = arith.constant dense<0.000000e+00> : vector<128x512xf32>
    %dot_general3A_29 = tpu.matmul %convert_element_type3A, %get3A_27, %dot_general3A_28 {dimension_numbers = #tpu.dot_dimension_numbers<[1], [1], [0], [0], [0, 0, 1, 0], [], []>, transpose_lhs_hint = false} : vector<128x32xbf16>, vector<512x32xbf16>, vector<128x512xf32> -> vector<128x512xf32>
    %get3A_30 = arith.constant 1 : index
    %get3A_31 = arith.constant 0 : index
    %get3A_32 = vector.load %arg3[%get3A_30, %get3A_31] : memref<16x512xf32, #tpu.memory_space<vmem>>, vector<1x512xf32>
    %get3A_33 = vector.shape_cast %get3A_32 : vector<1x512xf32> to vector<512xf32>
    %broadcast_in_dim3A_34 = vector.shape_cast %get3A_33 : vector<512xf32> to vector<1x512xf32>
    %sub3A_35 = vector.broadcast %broadcast_in_dim3A_34 : vector<1x512xf32> to vector<128x512xf32>
    %sub3A_36 = arith.subf %dot_general3A_29, %sub3A_35 : vector<128x512xf32>
    %reduce_max3A_37 = arith.constant dense<0xFF800000> : vector<128xf32>
    %reduce_max3A_38 = vector.multi_reduction <maximumf>, %sub3A_36, %reduce_max3A_37 [1] : vector<128x512xf32> to vector<128xf32>
    %broadcast_in_dim3A_39 = vector.shape_cast %reduce_max3A_38 : vector<128xf32> to vector<128x1xf32>
    %eq3A_40 = vector.broadcast %broadcast_in_dim3A_39 : vector<128x1xf32> to vector<128x512xf32>
    %eq3A_41 = arith.cmpf oeq, %sub3A_36, %eq3A_40 : vector<128x512xf32>
    %jit3A_42 = arith.constant 512 : i32
    %broadcast_in_dim3A_43 = vector.broadcast %jit3A_42 : i32 to vector<128x512xi32>
    %select_n3A_44 = arith.select %eq3A_41, %iota3A, %broadcast_in_dim3A_43 : vector<128x512xi1>, vector<128x512xi32>
    %reduce_min3A_45 = arith.constant dense<2147483647> : vector<128xi32>
    %reduce_min3A_46 = vector.multi_reduction <minsi>, %select_n3A_44, %reduce_min3A_45 [1] : vector<128x512xi32> to vector<128xi32>
    %broadcast_in_dim3A_47 = vector.shape_cast %reduce_min3A_46 : vector<128xi32> to vector<128x1xi32>
    %add3A_48 = arith.constant 512 : i32
    %add3A_49 = vector.broadcast %add3A_48 : i32 to vector<128x1xi32>
    %add3A_50 = arith.addi %broadcast_in_dim3A_47, %add3A_49 : vector<128x1xi32>
    %gt3A_51 = arith.cmpf ogt, %broadcast_in_dim3A_39, %select_n3A_24 : vector<128x1xf32>
    %select_n3A_52 = arith.select %gt3A_51, %add3A_50, %select_n3A_23 : vector<128x1xi1>, vector<128x1xi32>
    %select_n3A_53 = arith.select %gt3A_51, %broadcast_in_dim3A_39, %select_n3A_24 : vector<128x1xi1>, vector<128x1xf32>
    %get3A_54 = arith.constant 1024 : index
    %get3A_55 = arith.constant 0 : index
    %get3A_56 = vector.load %arg2[%get3A_54, %get3A_55] : memref<8192x32xbf16, #tpu.memory_space<vmem>>, vector<512x32xbf16>
    %dot_general3A_57 = arith.constant dense<0.000000e+00> : vector<128x512xf32>
    %dot_general3A_58 = tpu.matmul %convert_element_type3A, %get3A_56, %dot_general3A_57 {dimension_numbers = #tpu.dot_dimension_numbers<[1], [1], [0], [0], [0, 0, 1, 0], [], []>, transpose_lhs_hint = false} : vector<128x32xbf16>, vector<512x32xbf16>, vector<128x512xf32> -> vector<128x512xf32>
    %get3A_59 = arith.constant 2 : index
    %get3A_60 = arith.constant 0 : index
    %get3A_61 = vector.load %arg3[%get3A_59, %get3A_60] : memref<16x512xf32, #tpu.memory_space<vmem>>, vector<1x512xf32>
    %get3A_62 = vector.shape_cast %get3A_61 : vector<1x512xf32> to vector<512xf32>
    %broadcast_in_dim3A_63 = vector.shape_cast %get3A_62 : vector<512xf32> to vector<1x512xf32>
    %sub3A_64 = vector.broadcast %broadcast_in_dim3A_63 : vector<1x512xf32> to vector<128x512xf32>
    %sub3A_65 = arith.subf %dot_general3A_58, %sub3A_64 : vector<128x512xf32>
    %reduce_max3A_66 = arith.constant dense<0xFF800000> : vector<128xf32>
    %reduce_max3A_67 = vector.multi_reduction <maximumf>, %sub3A_65, %reduce_max3A_66 [1] : vector<128x512xf32> to vector<128xf32>
    %broadcast_in_dim3A_68 = vector.shape_cast %reduce_max3A_67 : vector<128xf32> to vector<128x1xf32>
    %eq3A_69 = vector.broadcast %broadcast_in_dim3A_68 : vector<128x1xf32> to vector<128x512xf32>
    %eq3A_70 = arith.cmpf oeq, %sub3A_65, %eq3A_69 : vector<128x512xf32>
    %jit3A_71 = arith.constant 512 : i32
    %broadcast_in_dim3A_72 = vector.broadcast %jit3A_71 : i32 to vector<128x512xi32>
    %select_n3A_73 = arith.select %eq3A_70, %iota3A, %broadcast_in_dim3A_72 : vector<128x512xi1>, vector<128x512xi32>
    %reduce_min3A_74 = arith.constant dense<2147483647> : vector<128xi32>
    %reduce_min3A_75 = vector.multi_reduction <minsi>, %select_n3A_73, %reduce_min3A_74 [1] : vector<128x512xi32> to vector<128xi32>
    %broadcast_in_dim3A_76 = vector.shape_cast %reduce_min3A_75 : vector<128xi32> to vector<128x1xi32>
    %add3A_77 = arith.constant 1024 : i32
    %add3A_78 = vector.broadcast %add3A_77 : i32 to vector<128x1xi32>
    %add3A_79 = arith.addi %broadcast_in_dim3A_76, %add3A_78 : vector<128x1xi32>
    %gt3A_80 = arith.cmpf ogt, %broadcast_in_dim3A_68, %select_n3A_53 : vector<128x1xf32>
    %select_n3A_81 = arith.select %gt3A_80, %add3A_79, %select_n3A_52 : vector<128x1xi1>, vector<128x1xi32>
    %select_n3A_82 = arith.select %gt3A_80, %broadcast_in_dim3A_68, %select_n3A_53 : vector<128x1xi1>, vector<128x1xf32>
    %get3A_83 = arith.constant 1536 : index
    %get3A_84 = arith.constant 0 : index
    %get3A_85 = vector.load %arg2[%get3A_83, %get3A_84] : memref<8192x32xbf16, #tpu.memory_space<vmem>>, vector<512x32xbf16>
    %dot_general3A_86 = arith.constant dense<0.000000e+00> : vector<128x512xf32>
    %dot_general3A_87 = tpu.matmul %convert_element_type3A, %get3A_85, %dot_general3A_86 {dimension_numbers = #tpu.dot_dimension_numbers<[1], [1], [0], [0], [0, 0, 1, 0], [], []>, transpose_lhs_hint = false} : vector<128x32xbf16>, vector<512x32xbf16>, vector<128x512xf32> -> vector<128x512xf32>
    %get3A_88 = arith.constant 3 : index
    %get3A_89 = arith.constant 0 : index
    %get3A_90 = vector.load %arg3[%get3A_88, %get3A_89] : memref<16x512xf32, #tpu.memory_space<vmem>>, vector<1x512xf32>
    %get3A_91 = vector.shape_cast %get3A_90 : vector<1x512xf32> to vector<512xf32>
    %broadcast_in_dim3A_92 = vector.shape_cast %get3A_91 : vector<512xf32> to vector<1x512xf32>
    %sub3A_93 = vector.broadcast %broadcast_in_dim3A_92 : vector<1x512xf32> to vector<128x512xf32>
    %sub3A_94 = arith.subf %dot_general3A_87, %sub3A_93 : vector<128x512xf32>
    %reduce_max3A_95 = arith.constant dense<0xFF800000> : vector<128xf32>
    %reduce_max3A_96 = vector.multi_reduction <maximumf>, %sub3A_94, %reduce_max3A_95 [1] : vector<128x512xf32> to vector<128xf32>
    %broadcast_in_dim3A_97 = vector.shape_cast %reduce_max3A_96 : vector<128xf32> to vector<128x1xf32>
    %eq3A_98 = vector.broadcast %broadcast_in_dim3A_97 : vector<128x1xf32> to vector<128x512xf32>
    %eq3A_99 = arith.cmpf oeq, %sub3A_94, %eq3A_98 : vector<128x512xf32>
    %jit3A_100 = arith.constant 512 : i32
    %broadcast_in_dim3A_101 = vector.broadcast %jit3A_100 : i32 to vector<128x512xi32>
    %select_n3A_102 = arith.select %eq3A_99, %iota3A, %broadcast_in_dim3A_101 : vector<128x512xi1>, vector<128x512xi32>
    %reduce_min3A_103 = arith.constant dense<2147483647> : vector<128xi32>
    %reduce_min3A_104 = vector.multi_reduction <minsi>, %select_n3A_102, %reduce_min3A_103 [1] : vector<128x512xi32> to vector<128xi32>
    %broadcast_in_dim3A_105 = vector.shape_cast %reduce_min3A_104 : vector<128xi32> to vector<128x1xi32>
    %add3A_106 = arith.constant 1536 : i32
    %add3A_107 = vector.broadcast %add3A_106 : i32 to vector<128x1xi32>
    %add3A_108 = arith.addi %broadcast_in_dim3A_105, %add3A_107 : vector<128x1xi32>
    %gt3A_109 = arith.cmpf ogt, %broadcast_in_dim3A_97, %select_n3A_82 : vector<128x1xf32>
    %select_n3A_110 = arith.select %gt3A_109, %add3A_108, %select_n3A_81 : vector<128x1xi1>, vector<128x1xi32>
    %select_n3A_111 = arith.select %gt3A_109, %broadcast_in_dim3A_97, %select_n3A_82 : vector<128x1xi1>, vector<128x1xf32>
    %get3A_112 = arith.constant 2048 : index
    %get3A_113 = arith.constant 0 : index
    %get3A_114 = vector.load %arg2[%get3A_112, %get3A_113] : memref<8192x32xbf16, #tpu.memory_space<vmem>>, vector<512x32xbf16>
    %dot_general3A_115 = arith.constant dense<0.000000e+00> : vector<128x512xf32>
    %dot_general3A_116 = tpu.matmul %convert_element_type3A, %get3A_114, %dot_general3A_115 {dimension_numbers = #tpu.dot_dimension_numbers<[1], [1], [0], [0], [0, 0, 1, 0], [], []>, transpose_lhs_hint = false} : vector<128x32xbf16>, vector<512x32xbf16>, vector<128x512xf32> -> vector<128x512xf32>
    %get3A_117 = arith.constant 4 : index
    %get3A_118 = arith.constant 0 : index
    %get3A_119 = vector.load %arg3[%get3A_117, %get3A_118] : memref<16x512xf32, #tpu.memory_space<vmem>>, vector<1x512xf32>
    %get3A_120 = vector.shape_cast %get3A_119 : vector<1x512xf32> to vector<512xf32>
    %broadcast_in_dim3A_121 = vector.shape_cast %get3A_120 : vector<512xf32> to vector<1x512xf32>
    %sub3A_122 = vector.broadcast %broadcast_in_dim3A_121 : vector<1x512xf32> to vector<128x512xf32>
    %sub3A_123 = arith.subf %dot_general3A_116, %sub3A_122 : vector<128x512xf32>
    %reduce_max3A_124 = arith.constant dense<0xFF800000> : vector<128xf32>
    %reduce_max3A_125 = vector.multi_reduction <maximumf>, %sub3A_123, %reduce_max3A_124 [1] : vector<128x512xf32> to vector<128xf32>
    %broadcast_in_dim3A_126 = vector.shape_cast %reduce_max3A_125 : vector<128xf32> to vector<128x1xf32>
    %eq3A_127 = vector.broadcast %broadcast_in_dim3A_126 : vector<128x1xf32> to vector<128x512xf32>
    %eq3A_128 = arith.cmpf oeq, %sub3A_123, %eq3A_127 : vector<128x512xf32>
    %jit3A_129 = arith.constant 512 : i32
    %broadcast_in_dim3A_130 = vector.broadcast %jit3A_129 : i32 to vector<128x512xi32>
    %select_n3A_131 = arith.select %eq3A_128, %iota3A, %broadcast_in_dim3A_130 : vector<128x512xi1>, vector<128x512xi32>
    %reduce_min3A_132 = arith.constant dense<2147483647> : vector<128xi32>
    %reduce_min3A_133 = vector.multi_reduction <minsi>, %select_n3A_131, %reduce_min3A_132 [1] : vector<128x512xi32> to vector<128xi32>
    %broadcast_in_dim3A_134 = vector.shape_cast %reduce_min3A_133 : vector<128xi32> to vector<128x1xi32>
    %add3A_135 = arith.constant 2048 : i32
    %add3A_136 = vector.broadcast %add3A_135 : i32 to vector<128x1xi32>
    %add3A_137 = arith.addi %broadcast_in_dim3A_134, %add3A_136 : vector<128x1xi32>
    %gt3A_138 = arith.cmpf ogt, %broadcast_in_dim3A_126, %select_n3A_111 : vector<128x1xf32>
    %select_n3A_139 = arith.select %gt3A_138, %add3A_137, %select_n3A_110 : vector<128x1xi1>, vector<128x1xi32>
    %select_n3A_140 = arith.select %gt3A_138, %broadcast_in_dim3A_126, %select_n3A_111 : vector<128x1xi1>, vector<128x1xf32>
    %get3A_141 = arith.constant 2560 : index
    %get3A_142 = arith.constant 0 : index
    %get3A_143 = vector.load %arg2[%get3A_141, %get3A_142] : memref<8192x32xbf16, #tpu.memory_space<vmem>>, vector<512x32xbf16>
    %dot_general3A_144 = arith.constant dense<0.000000e+00> : vector<128x512xf32>
    %dot_general3A_145 = tpu.matmul %convert_element_type3A, %get3A_143, %dot_general3A_144 {dimension_numbers = #tpu.dot_dimension_numbers<[1], [1], [0], [0], [0, 0, 1, 0], [], []>, transpose_lhs_hint = false} : vector<128x32xbf16>, vector<512x32xbf16>, vector<128x512xf32> -> vector<128x512xf32>
    %get3A_146 = arith.constant 5 : index
    %get3A_147 = arith.constant 0 : index
    %get3A_148 = vector.load %arg3[%get3A_146, %get3A_147] : memref<16x512xf32, #tpu.memory_space<vmem>>, vector<1x512xf32>
    %get3A_149 = vector.shape_cast %get3A_148 : vector<1x512xf32> to vector<512xf32>
    %broadcast_in_dim3A_150 = vector.shape_cast %get3A_149 : vector<512xf32> to vector<1x512xf32>
    %sub3A_151 = vector.broadcast %broadcast_in_dim3A_150 : vector<1x512xf32> to vector<128x512xf32>
    %sub3A_152 = arith.subf %dot_general3A_145, %sub3A_151 : vector<128x512xf32>
    %reduce_max3A_153 = arith.constant dense<0xFF800000> : vector<128xf32>
    %reduce_max3A_154 = vector.multi_reduction <maximumf>, %sub3A_152, %reduce_max3A_153 [1] : vector<128x512xf32> to vector<128xf32>
    %broadcast_in_dim3A_155 = vector.shape_cast %reduce_max3A_154 : vector<128xf32> to vector<128x1xf32>
    %eq3A_156 = vector.broadcast %broadcast_in_dim3A_155 : vector<128x1xf32> to vector<128x512xf32>
    %eq3A_157 = arith.cmpf oeq, %sub3A_152, %eq3A_156 : vector<128x512xf32>
    %jit3A_158 = arith.constant 512 : i32
    %broadcast_in_dim3A_159 = vector.broadcast %jit3A_158 : i32 to vector<128x512xi32>
    %select_n3A_160 = arith.select %eq3A_157, %iota3A, %broadcast_in_dim3A_159 : vector<128x512xi1>, vector<128x512xi32>
    %reduce_min3A_161 = arith.constant dense<2147483647> : vector<128xi32>
    %reduce_min3A_162 = vector.multi_reduction <minsi>, %select_n3A_160, %reduce_min3A_161 [1] : vector<128x512xi32> to vector<128xi32>
    %broadcast_in_dim3A_163 = vector.shape_cast %reduce_min3A_162 : vector<128xi32> to vector<128x1xi32>
    %add3A_164 = arith.constant 2560 : i32
    %add3A_165 = vector.broadcast %add3A_164 : i32 to vector<128x1xi32>
    %add3A_166 = arith.addi %broadcast_in_dim3A_163, %add3A_165 : vector<128x1xi32>
    %gt3A_167 = arith.cmpf ogt, %broadcast_in_dim3A_155, %select_n3A_140 : vector<128x1xf32>
    %select_n3A_168 = arith.select %gt3A_167, %add3A_166, %select_n3A_139 : vector<128x1xi1>, vector<128x1xi32>
    %select_n3A_169 = arith.select %gt3A_167, %broadcast_in_dim3A_155, %select_n3A_140 : vector<128x1xi1>, vector<128x1xf32>
    %get3A_170 = arith.constant 3072 : index
    %get3A_171 = arith.constant 0 : index
    %get3A_172 = vector.load %arg2[%get3A_170, %get3A_171] : memref<8192x32xbf16, #tpu.memory_space<vmem>>, vector<512x32xbf16>
    %dot_general3A_173 = arith.constant dense<0.000000e+00> : vector<128x512xf32>
    %dot_general3A_174 = tpu.matmul %convert_element_type3A, %get3A_172, %dot_general3A_173 {dimension_numbers = #tpu.dot_dimension_numbers<[1], [1], [0], [0], [0, 0, 1, 0], [], []>, transpose_lhs_hint = false} : vector<128x32xbf16>, vector<512x32xbf16>, vector<128x512xf32> -> vector<128x512xf32>
    %get3A_175 = arith.constant 6 : index
    %get3A_176 = arith.constant 0 : index
    %get3A_177 = vector.load %arg3[%get3A_175, %get3A_176] : memref<16x512xf32, #tpu.memory_space<vmem>>, vector<1x512xf32>
    %get3A_178 = vector.shape_cast %get3A_177 : vector<1x512xf32> to vector<512xf32>
    %broadcast_in_dim3A_179 = vector.shape_cast %get3A_178 : vector<512xf32> to vector<1x512xf32>
    %sub3A_180 = vector.broadcast %broadcast_in_dim3A_179 : vector<1x512xf32> to vector<128x512xf32>
    %sub3A_181 = arith.subf %dot_general3A_174, %sub3A_180 : vector<128x512xf32>
    %reduce_max3A_182 = arith.constant dense<0xFF800000> : vector<128xf32>
    %reduce_max3A_183 = vector.multi_reduction <maximumf>, %sub3A_181, %reduce_max3A_182 [1] : vector<128x512xf32> to vector<128xf32>
    %broadcast_in_dim3A_184 = vector.shape_cast %reduce_max3A_183 : vector<128xf32> to vector<128x1xf32>
    %eq3A_185 = vector.broadcast %broadcast_in_dim3A_184 : vector<128x1xf32> to vector<128x512xf32>
    %eq3A_186 = arith.cmpf oeq, %sub3A_181, %eq3A_185 : vector<128x512xf32>
    %jit3A_187 = arith.constant 512 : i32
    %broadcast_in_dim3A_188 = vector.broadcast %jit3A_187 : i32 to vector<128x512xi32>
    %select_n3A_189 = arith.select %eq3A_186, %iota3A, %broadcast_in_dim3A_188 : vector<128x512xi1>, vector<128x512xi32>
    %reduce_min3A_190 = arith.constant dense<2147483647> : vector<128xi32>
    %reduce_min3A_191 = vector.multi_reduction <minsi>, %select_n3A_189, %reduce_min3A_190 [1] : vector<128x512xi32> to vector<128xi32>
    %broadcast_in_dim3A_192 = vector.shape_cast %reduce_min3A_191 : vector<128xi32> to vector<128x1xi32>
    %add3A_193 = arith.constant 3072 : i32
    %add3A_194 = vector.broadcast %add3A_193 : i32 to vector<128x1xi32>
    %add3A_195 = arith.addi %broadcast_in_dim3A_192, %add3A_194 : vector<128x1xi32>
    %gt3A_196 = arith.cmpf ogt, %broadcast_in_dim3A_184, %select_n3A_169 : vector<128x1xf32>
    %select_n3A_197 = arith.select %gt3A_196, %add3A_195, %select_n3A_168 : vector<128x1xi1>, vector<128x1xi32>
    %select_n3A_198 = arith.select %gt3A_196, %broadcast_in_dim3A_184, %select_n3A_169 : vector<128x1xi1>, vector<128x1xf32>
    %get3A_199 = arith.constant 3584 : index
    %get3A_200 = arith.constant 0 : index
    %get3A_201 = vector.load %arg2[%get3A_199, %get3A_200] : memref<8192x32xbf16, #tpu.memory_space<vmem>>, vector<512x32xbf16>
    %dot_general3A_202 = arith.constant dense<0.000000e+00> : vector<128x512xf32>
    %dot_general3A_203 = tpu.matmul %convert_element_type3A, %get3A_201, %dot_general3A_202 {dimension_numbers = #tpu.dot_dimension_numbers<[1], [1], [0], [0], [0, 0, 1, 0], [], []>, transpose_lhs_hint = false} : vector<128x32xbf16>, vector<512x32xbf16>, vector<128x512xf32> -> vector<128x512xf32>
    %get3A_204 = arith.constant 7 : index
    %get3A_205 = arith.constant 0 : index
    %get3A_206 = vector.load %arg3[%get3A_204, %get3A_205] : memref<16x512xf32, #tpu.memory_space<vmem>>, vector<1x512xf32>
    %get3A_207 = vector.shape_cast %get3A_206 : vector<1x512xf32> to vector<512xf32>
    %broadcast_in_dim3A_208 = vector.shape_cast %get3A_207 : vector<512xf32> to vector<1x512xf32>
    %sub3A_209 = vector.broadcast %broadcast_in_dim3A_208 : vector<1x512xf32> to vector<128x512xf32>
    %sub3A_210 = arith.subf %dot_general3A_203, %sub3A_209 : vector<128x512xf32>
    %reduce_max3A_211 = arith.constant dense<0xFF800000> : vector<128xf32>
    %reduce_max3A_212 = vector.multi_reduction <maximumf>, %sub3A_210, %reduce_max3A_211 [1] : vector<128x512xf32> to vector<128xf32>
    %broadcast_in_dim3A_213 = vector.shape_cast %reduce_max3A_212 : vector<128xf32> to vector<128x1xf32>
    %eq3A_214 = vector.broadcast %broadcast_in_dim3A_213 : vector<128x1xf32> to vector<128x512xf32>
    %eq3A_215 = arith.cmpf oeq, %sub3A_210, %eq3A_214 : vector<128x512xf32>
    %jit3A_216 = arith.constant 512 : i32
    %broadcast_in_dim3A_217 = vector.broadcast %jit3A_216 : i32 to vector<128x512xi32>
    %select_n3A_218 = arith.select %eq3A_215, %iota3A, %broadcast_in_dim3A_217 : vector<128x512xi1>, vector<128x512xi32>
    %reduce_min3A_219 = arith.constant dense<2147483647> : vector<128xi32>
    %reduce_min3A_220 = vector.multi_reduction <minsi>, %select_n3A_218, %reduce_min3A_219 [1] : vector<128x512xi32> to vector<128xi32>
    %broadcast_in_dim3A_221 = vector.shape_cast %reduce_min3A_220 : vector<128xi32> to vector<128x1xi32>
    %add3A_222 = arith.constant 3584 : i32
    %add3A_223 = vector.broadcast %add3A_222 : i32 to vector<128x1xi32>
    %add3A_224 = arith.addi %broadcast_in_dim3A_221, %add3A_223 : vector<128x1xi32>
    %gt3A_225 = arith.cmpf ogt, %broadcast_in_dim3A_213, %select_n3A_198 : vector<128x1xf32>
    %select_n3A_226 = arith.select %gt3A_225, %add3A_224, %select_n3A_197 : vector<128x1xi1>, vector<128x1xi32>
    %select_n3A_227 = arith.select %gt3A_225, %broadcast_in_dim3A_213, %select_n3A_198 : vector<128x1xi1>, vector<128x1xf32>
    %get3A_228 = arith.constant 4096 : index
    %get3A_229 = arith.constant 0 : index
    %get3A_230 = vector.load %arg2[%get3A_228, %get3A_229] : memref<8192x32xbf16, #tpu.memory_space<vmem>>, vector<512x32xbf16>
    %dot_general3A_231 = arith.constant dense<0.000000e+00> : vector<128x512xf32>
    %dot_general3A_232 = tpu.matmul %convert_element_type3A, %get3A_230, %dot_general3A_231 {dimension_numbers = #tpu.dot_dimension_numbers<[1], [1], [0], [0], [0, 0, 1, 0], [], []>, transpose_lhs_hint = false} : vector<128x32xbf16>, vector<512x32xbf16>, vector<128x512xf32> -> vector<128x512xf32>
    %get3A_233 = arith.constant 8 : index
    %get3A_234 = arith.constant 0 : index
    %get3A_235 = vector.load %arg3[%get3A_233, %get3A_234] : memref<16x512xf32, #tpu.memory_space<vmem>>, vector<1x512xf32>
    %get3A_236 = vector.shape_cast %get3A_235 : vector<1x512xf32> to vector<512xf32>
    %broadcast_in_dim3A_237 = vector.shape_cast %get3A_236 : vector<512xf32> to vector<1x512xf32>
    %sub3A_238 = vector.broadcast %broadcast_in_dim3A_237 : vector<1x512xf32> to vector<128x512xf32>
    %sub3A_239 = arith.subf %dot_general3A_232, %sub3A_238 : vector<128x512xf32>
    %reduce_max3A_240 = arith.constant dense<0xFF800000> : vector<128xf32>
    %reduce_max3A_241 = vector.multi_reduction <maximumf>, %sub3A_239, %reduce_max3A_240 [1] : vector<128x512xf32> to vector<128xf32>
    %broadcast_in_dim3A_242 = vector.shape_cast %reduce_max3A_241 : vector<128xf32> to vector<128x1xf32>
    %eq3A_243 = vector.broadcast %broadcast_in_dim3A_242 : vector<128x1xf32> to vector<128x512xf32>
    %eq3A_244 = arith.cmpf oeq, %sub3A_239, %eq3A_243 : vector<128x512xf32>
    %jit3A_245 = arith.constant 512 : i32
    %broadcast_in_dim3A_246 = vector.broadcast %jit3A_245 : i32 to vector<128x512xi32>
    %select_n3A_247 = arith.select %eq3A_244, %iota3A, %broadcast_in_dim3A_246 : vector<128x512xi1>, vector<128x512xi32>
    %reduce_min3A_248 = arith.constant dense<2147483647> : vector<128xi32>
    %reduce_min3A_249 = vector.multi_reduction <minsi>, %select_n3A_247, %reduce_min3A_248 [1] : vector<128x512xi32> to vector<128xi32>
    %broadcast_in_dim3A_250 = vector.shape_cast %reduce_min3A_249 : vector<128xi32> to vector<128x1xi32>
    %add3A_251 = arith.constant 4096 : i32
    %add3A_252 = vector.broadcast %add3A_251 : i32 to vector<128x1xi32>
    %add3A_253 = arith.addi %broadcast_in_dim3A_250, %add3A_252 : vector<128x1xi32>
    %gt3A_254 = arith.cmpf ogt, %broadcast_in_dim3A_242, %select_n3A_227 : vector<128x1xf32>
    %select_n3A_255 = arith.select %gt3A_254, %add3A_253, %select_n3A_226 : vector<128x1xi1>, vector<128x1xi32>
    %select_n3A_256 = arith.select %gt3A_254, %broadcast_in_dim3A_242, %select_n3A_227 : vector<128x1xi1>, vector<128x1xf32>
    %get3A_257 = arith.constant 4608 : index
    %get3A_258 = arith.constant 0 : index
    %get3A_259 = vector.load %arg2[%get3A_257, %get3A_258] : memref<8192x32xbf16, #tpu.memory_space<vmem>>, vector<512x32xbf16>
    %dot_general3A_260 = arith.constant dense<0.000000e+00> : vector<128x512xf32>
    %dot_general3A_261 = tpu.matmul %convert_element_type3A, %get3A_259, %dot_general3A_260 {dimension_numbers = #tpu.dot_dimension_numbers<[1], [1], [0], [0], [0, 0, 1, 0], [], []>, transpose_lhs_hint = false} : vector<128x32xbf16>, vector<512x32xbf16>, vector<128x512xf32> -> vector<128x512xf32>
    %get3A_262 = arith.constant 9 : index
    %get3A_263 = arith.constant 0 : index
    %get3A_264 = vector.load %arg3[%get3A_262, %get3A_263] : memref<16x512xf32, #tpu.memory_space<vmem>>, vector<1x512xf32>
    %get3A_265 = vector.shape_cast %get3A_264 : vector<1x512xf32> to vector<512xf32>
    %broadcast_in_dim3A_266 = vector.shape_cast %get3A_265 : vector<512xf32> to vector<1x512xf32>
    %sub3A_267 = vector.broadcast %broadcast_in_dim3A_266 : vector<1x512xf32> to vector<128x512xf32>
    %sub3A_268 = arith.subf %dot_general3A_261, %sub3A_267 : vector<128x512xf32>
    %reduce_max3A_269 = arith.constant dense<0xFF800000> : vector<128xf32>
    %reduce_max3A_270 = vector.multi_reduction <maximumf>, %sub3A_268, %reduce_max3A_269 [1] : vector<128x512xf32> to vector<128xf32>
    %broadcast_in_dim3A_271 = vector.shape_cast %reduce_max3A_270 : vector<128xf32> to vector<128x1xf32>
    %eq3A_272 = vector.broadcast %broadcast_in_dim3A_271 : vector<128x1xf32> to vector<128x512xf32>
    %eq3A_273 = arith.cmpf oeq, %sub3A_268, %eq3A_272 : vector<128x512xf32>
    %jit3A_274 = arith.constant 512 : i32
    %broadcast_in_dim3A_275 = vector.broadcast %jit3A_274 : i32 to vector<128x512xi32>
    %select_n3A_276 = arith.select %eq3A_273, %iota3A, %broadcast_in_dim3A_275 : vector<128x512xi1>, vector<128x512xi32>
    %reduce_min3A_277 = arith.constant dense<2147483647> : vector<128xi32>
    %reduce_min3A_278 = vector.multi_reduction <minsi>, %select_n3A_276, %reduce_min3A_277 [1] : vector<128x512xi32> to vector<128xi32>
    %broadcast_in_dim3A_279 = vector.shape_cast %reduce_min3A_278 : vector<128xi32> to vector<128x1xi32>
    %add3A_280 = arith.constant 4608 : i32
    %add3A_281 = vector.broadcast %add3A_280 : i32 to vector<128x1xi32>
    %add3A_282 = arith.addi %broadcast_in_dim3A_279, %add3A_281 : vector<128x1xi32>
    %gt3A_283 = arith.cmpf ogt, %broadcast_in_dim3A_271, %select_n3A_256 : vector<128x1xf32>
    %select_n3A_284 = arith.select %gt3A_283, %add3A_282, %select_n3A_255 : vector<128x1xi1>, vector<128x1xi32>
    %select_n3A_285 = arith.select %gt3A_283, %broadcast_in_dim3A_271, %select_n3A_256 : vector<128x1xi1>, vector<128x1xf32>
    %get3A_286 = arith.constant 5120 : index
    %get3A_287 = arith.constant 0 : index
    %get3A_288 = vector.load %arg2[%get3A_286, %get3A_287] : memref<8192x32xbf16, #tpu.memory_space<vmem>>, vector<512x32xbf16>
    %dot_general3A_289 = arith.constant dense<0.000000e+00> : vector<128x512xf32>
    %dot_general3A_290 = tpu.matmul %convert_element_type3A, %get3A_288, %dot_general3A_289 {dimension_numbers = #tpu.dot_dimension_numbers<[1], [1], [0], [0], [0, 0, 1, 0], [], []>, transpose_lhs_hint = false} : vector<128x32xbf16>, vector<512x32xbf16>, vector<128x512xf32> -> vector<128x512xf32>
    %get3A_291 = arith.constant 10 : index
    %get3A_292 = arith.constant 0 : index
    %get3A_293 = vector.load %arg3[%get3A_291, %get3A_292] : memref<16x512xf32, #tpu.memory_space<vmem>>, vector<1x512xf32>
    %get3A_294 = vector.shape_cast %get3A_293 : vector<1x512xf32> to vector<512xf32>
    %broadcast_in_dim3A_295 = vector.shape_cast %get3A_294 : vector<512xf32> to vector<1x512xf32>
    %sub3A_296 = vector.broadcast %broadcast_in_dim3A_295 : vector<1x512xf32> to vector<128x512xf32>
    %sub3A_297 = arith.subf %dot_general3A_290, %sub3A_296 : vector<128x512xf32>
    %reduce_max3A_298 = arith.constant dense<0xFF800000> : vector<128xf32>
    %reduce_max3A_299 = vector.multi_reduction <maximumf>, %sub3A_297, %reduce_max3A_298 [1] : vector<128x512xf32> to vector<128xf32>
    %broadcast_in_dim3A_300 = vector.shape_cast %reduce_max3A_299 : vector<128xf32> to vector<128x1xf32>
    %eq3A_301 = vector.broadcast %broadcast_in_dim3A_300 : vector<128x1xf32> to vector<128x512xf32>
    %eq3A_302 = arith.cmpf oeq, %sub3A_297, %eq3A_301 : vector<128x512xf32>
    %jit3A_303 = arith.constant 512 : i32
    %broadcast_in_dim3A_304 = vector.broadcast %jit3A_303 : i32 to vector<128x512xi32>
    %select_n3A_305 = arith.select %eq3A_302, %iota3A, %broadcast_in_dim3A_304 : vector<128x512xi1>, vector<128x512xi32>
    %reduce_min3A_306 = arith.constant dense<2147483647> : vector<128xi32>
    %reduce_min3A_307 = vector.multi_reduction <minsi>, %select_n3A_305, %reduce_min3A_306 [1] : vector<128x512xi32> to vector<128xi32>
    %broadcast_in_dim3A_308 = vector.shape_cast %reduce_min3A_307 : vector<128xi32> to vector<128x1xi32>
    %add3A_309 = arith.constant 5120 : i32
    %add3A_310 = vector.broadcast %add3A_309 : i32 to vector<128x1xi32>
    %add3A_311 = arith.addi %broadcast_in_dim3A_308, %add3A_310 : vector<128x1xi32>
    %gt3A_312 = arith.cmpf ogt, %broadcast_in_dim3A_300, %select_n3A_285 : vector<128x1xf32>
    %select_n3A_313 = arith.select %gt3A_312, %add3A_311, %select_n3A_284 : vector<128x1xi1>, vector<128x1xi32>
    %select_n3A_314 = arith.select %gt3A_312, %broadcast_in_dim3A_300, %select_n3A_285 : vector<128x1xi1>, vector<128x1xf32>
    %get3A_315 = arith.constant 5632 : index
    %get3A_316 = arith.constant 0 : index
    %get3A_317 = vector.load %arg2[%get3A_315, %get3A_316] : memref<8192x32xbf16, #tpu.memory_space<vmem>>, vector<512x32xbf16>
    %dot_general3A_318 = arith.constant dense<0.000000e+00> : vector<128x512xf32>
    %dot_general3A_319 = tpu.matmul %convert_element_type3A, %get3A_317, %dot_general3A_318 {dimension_numbers = #tpu.dot_dimension_numbers<[1], [1], [0], [0], [0, 0, 1, 0], [], []>, transpose_lhs_hint = false} : vector<128x32xbf16>, vector<512x32xbf16>, vector<128x512xf32> -> vector<128x512xf32>
    %get3A_320 = arith.constant 11 : index
    %get3A_321 = arith.constant 0 : index
    %get3A_322 = vector.load %arg3[%get3A_320, %get3A_321] : memref<16x512xf32, #tpu.memory_space<vmem>>, vector<1x512xf32>
    %get3A_323 = vector.shape_cast %get3A_322 : vector<1x512xf32> to vector<512xf32>
    %broadcast_in_dim3A_324 = vector.shape_cast %get3A_323 : vector<512xf32> to vector<1x512xf32>
    %sub3A_325 = vector.broadcast %broadcast_in_dim3A_324 : vector<1x512xf32> to vector<128x512xf32>
    %sub3A_326 = arith.subf %dot_general3A_319, %sub3A_325 : vector<128x512xf32>
    %reduce_max3A_327 = arith.constant dense<0xFF800000> : vector<128xf32>
    %reduce_max3A_328 = vector.multi_reduction <maximumf>, %sub3A_326, %reduce_max3A_327 [1] : vector<128x512xf32> to vector<128xf32>
    %broadcast_in_dim3A_329 = vector.shape_cast %reduce_max3A_328 : vector<128xf32> to vector<128x1xf32>
    %eq3A_330 = vector.broadcast %broadcast_in_dim3A_329 : vector<128x1xf32> to vector<128x512xf32>
    %eq3A_331 = arith.cmpf oeq, %sub3A_326, %eq3A_330 : vector<128x512xf32>
    %jit3A_332 = arith.constant 512 : i32
    %broadcast_in_dim3A_333 = vector.broadcast %jit3A_332 : i32 to vector<128x512xi32>
    %select_n3A_334 = arith.select %eq3A_331, %iota3A, %broadcast_in_dim3A_333 : vector<128x512xi1>, vector<128x512xi32>
    %reduce_min3A_335 = arith.constant dense<2147483647> : vector<128xi32>
    %reduce_min3A_336 = vector.multi_reduction <minsi>, %select_n3A_334, %reduce_min3A_335 [1] : vector<128x512xi32> to vector<128xi32>
    %broadcast_in_dim3A_337 = vector.shape_cast %reduce_min3A_336 : vector<128xi32> to vector<128x1xi32>
    %add3A_338 = arith.constant 5632 : i32
    %add3A_339 = vector.broadcast %add3A_338 : i32 to vector<128x1xi32>
    %add3A_340 = arith.addi %broadcast_in_dim3A_337, %add3A_339 : vector<128x1xi32>
    %gt3A_341 = arith.cmpf ogt, %broadcast_in_dim3A_329, %select_n3A_314 : vector<128x1xf32>
    %select_n3A_342 = arith.select %gt3A_341, %add3A_340, %select_n3A_313 : vector<128x1xi1>, vector<128x1xi32>
    %select_n3A_343 = arith.select %gt3A_341, %broadcast_in_dim3A_329, %select_n3A_314 : vector<128x1xi1>, vector<128x1xf32>
    %get3A_344 = arith.constant 6144 : index
    %get3A_345 = arith.constant 0 : index
    %get3A_346 = vector.load %arg2[%get3A_344, %get3A_345] : memref<8192x32xbf16, #tpu.memory_space<vmem>>, vector<512x32xbf16>
    %dot_general3A_347 = arith.constant dense<0.000000e+00> : vector<128x512xf32>
    %dot_general3A_348 = tpu.matmul %convert_element_type3A, %get3A_346, %dot_general3A_347 {dimension_numbers = #tpu.dot_dimension_numbers<[1], [1], [0], [0], [0, 0, 1, 0], [], []>, transpose_lhs_hint = false} : vector<128x32xbf16>, vector<512x32xbf16>, vector<128x512xf32> -> vector<128x512xf32>
    %get3A_349 = arith.constant 12 : index
    %get3A_350 = arith.constant 0 : index
    %get3A_351 = vector.load %arg3[%get3A_349, %get3A_350] : memref<16x512xf32, #tpu.memory_space<vmem>>, vector<1x512xf32>
    %get3A_352 = vector.shape_cast %get3A_351 : vector<1x512xf32> to vector<512xf32>
    %broadcast_in_dim3A_353 = vector.shape_cast %get3A_352 : vector<512xf32> to vector<1x512xf32>
    %sub3A_354 = vector.broadcast %broadcast_in_dim3A_353 : vector<1x512xf32> to vector<128x512xf32>
    %sub3A_355 = arith.subf %dot_general3A_348, %sub3A_354 : vector<128x512xf32>
    %reduce_max3A_356 = arith.constant dense<0xFF800000> : vector<128xf32>
    %reduce_max3A_357 = vector.multi_reduction <maximumf>, %sub3A_355, %reduce_max3A_356 [1] : vector<128x512xf32> to vector<128xf32>
    %broadcast_in_dim3A_358 = vector.shape_cast %reduce_max3A_357 : vector<128xf32> to vector<128x1xf32>
    %eq3A_359 = vector.broadcast %broadcast_in_dim3A_358 : vector<128x1xf32> to vector<128x512xf32>
    %eq3A_360 = arith.cmpf oeq, %sub3A_355, %eq3A_359 : vector<128x512xf32>
    %jit3A_361 = arith.constant 512 : i32
    %broadcast_in_dim3A_362 = vector.broadcast %jit3A_361 : i32 to vector<128x512xi32>
    %select_n3A_363 = arith.select %eq3A_360, %iota3A, %broadcast_in_dim3A_362 : vector<128x512xi1>, vector<128x512xi32>
    %reduce_min3A_364 = arith.constant dense<2147483647> : vector<128xi32>
    %reduce_min3A_365 = vector.multi_reduction <minsi>, %select_n3A_363, %reduce_min3A_364 [1] : vector<128x512xi32> to vector<128xi32>
    %broadcast_in_dim3A_366 = vector.shape_cast %reduce_min3A_365 : vector<128xi32> to vector<128x1xi32>
    %add3A_367 = arith.constant 6144 : i32
    %add3A_368 = vector.broadcast %add3A_367 : i32 to vector<128x1xi32>
    %add3A_369 = arith.addi %broadcast_in_dim3A_366, %add3A_368 : vector<128x1xi32>
    %gt3A_370 = arith.cmpf ogt, %broadcast_in_dim3A_358, %select_n3A_343 : vector<128x1xf32>
    %select_n3A_371 = arith.select %gt3A_370, %add3A_369, %select_n3A_342 : vector<128x1xi1>, vector<128x1xi32>
    %select_n3A_372 = arith.select %gt3A_370, %broadcast_in_dim3A_358, %select_n3A_343 : vector<128x1xi1>, vector<128x1xf32>
    %get3A_373 = arith.constant 6656 : index
    %get3A_374 = arith.constant 0 : index
    %get3A_375 = vector.load %arg2[%get3A_373, %get3A_374] : memref<8192x32xbf16, #tpu.memory_space<vmem>>, vector<512x32xbf16>
    %dot_general3A_376 = arith.constant dense<0.000000e+00> : vector<128x512xf32>
    %dot_general3A_377 = tpu.matmul %convert_element_type3A, %get3A_375, %dot_general3A_376 {dimension_numbers = #tpu.dot_dimension_numbers<[1], [1], [0], [0], [0, 0, 1, 0], [], []>, transpose_lhs_hint = false} : vector<128x32xbf16>, vector<512x32xbf16>, vector<128x512xf32> -> vector<128x512xf32>
    %get3A_378 = arith.constant 13 : index
    %get3A_379 = arith.constant 0 : index
    %get3A_380 = vector.load %arg3[%get3A_378, %get3A_379] : memref<16x512xf32, #tpu.memory_space<vmem>>, vector<1x512xf32>
    %get3A_381 = vector.shape_cast %get3A_380 : vector<1x512xf32> to vector<512xf32>
    %broadcast_in_dim3A_382 = vector.shape_cast %get3A_381 : vector<512xf32> to vector<1x512xf32>
    %sub3A_383 = vector.broadcast %broadcast_in_dim3A_382 : vector<1x512xf32> to vector<128x512xf32>
    %sub3A_384 = arith.subf %dot_general3A_377, %sub3A_383 : vector<128x512xf32>
    %reduce_max3A_385 = arith.constant dense<0xFF800000> : vector<128xf32>
    %reduce_max3A_386 = vector.multi_reduction <maximumf>, %sub3A_384, %reduce_max3A_385 [1] : vector<128x512xf32> to vector<128xf32>
    %broadcast_in_dim3A_387 = vector.shape_cast %reduce_max3A_386 : vector<128xf32> to vector<128x1xf32>
    %eq3A_388 = vector.broadcast %broadcast_in_dim3A_387 : vector<128x1xf32> to vector<128x512xf32>
    %eq3A_389 = arith.cmpf oeq, %sub3A_384, %eq3A_388 : vector<128x512xf32>
    %jit3A_390 = arith.constant 512 : i32
    %broadcast_in_dim3A_391 = vector.broadcast %jit3A_390 : i32 to vector<128x512xi32>
    %select_n3A_392 = arith.select %eq3A_389, %iota3A, %broadcast_in_dim3A_391 : vector<128x512xi1>, vector<128x512xi32>
    %reduce_min3A_393 = arith.constant dense<2147483647> : vector<128xi32>
    %reduce_min3A_394 = vector.multi_reduction <minsi>, %select_n3A_392, %reduce_min3A_393 [1] : vector<128x512xi32> to vector<128xi32>
    %broadcast_in_dim3A_395 = vector.shape_cast %reduce_min3A_394 : vector<128xi32> to vector<128x1xi32>
    %add3A_396 = arith.constant 6656 : i32
    %add3A_397 = vector.broadcast %add3A_396 : i32 to vector<128x1xi32>
    %add3A_398 = arith.addi %broadcast_in_dim3A_395, %add3A_397 : vector<128x1xi32>
    %gt3A_399 = arith.cmpf ogt, %broadcast_in_dim3A_387, %select_n3A_372 : vector<128x1xf32>
    %select_n3A_400 = arith.select %gt3A_399, %add3A_398, %select_n3A_371 : vector<128x1xi1>, vector<128x1xi32>
    %select_n3A_401 = arith.select %gt3A_399, %broadcast_in_dim3A_387, %select_n3A_372 : vector<128x1xi1>, vector<128x1xf32>
    %get3A_402 = arith.constant 7168 : index
    %get3A_403 = arith.constant 0 : index
    %get3A_404 = vector.load %arg2[%get3A_402, %get3A_403] : memref<8192x32xbf16, #tpu.memory_space<vmem>>, vector<512x32xbf16>
    %dot_general3A_405 = arith.constant dense<0.000000e+00> : vector<128x512xf32>
    %dot_general3A_406 = tpu.matmul %convert_element_type3A, %get3A_404, %dot_general3A_405 {dimension_numbers = #tpu.dot_dimension_numbers<[1], [1], [0], [0], [0, 0, 1, 0], [], []>, transpose_lhs_hint = false} : vector<128x32xbf16>, vector<512x32xbf16>, vector<128x512xf32> -> vector<128x512xf32>
    %get3A_407 = arith.constant 14 : index
    %get3A_408 = arith.constant 0 : index
    %get3A_409 = vector.load %arg3[%get3A_407, %get3A_408] : memref<16x512xf32, #tpu.memory_space<vmem>>, vector<1x512xf32>
    %get3A_410 = vector.shape_cast %get3A_409 : vector<1x512xf32> to vector<512xf32>
    %broadcast_in_dim3A_411 = vector.shape_cast %get3A_410 : vector<512xf32> to vector<1x512xf32>
    %sub3A_412 = vector.broadcast %broadcast_in_dim3A_411 : vector<1x512xf32> to vector<128x512xf32>
    %sub3A_413 = arith.subf %dot_general3A_406, %sub3A_412 : vector<128x512xf32>
    %reduce_max3A_414 = arith.constant dense<0xFF800000> : vector<128xf32>
    %reduce_max3A_415 = vector.multi_reduction <maximumf>, %sub3A_413, %reduce_max3A_414 [1] : vector<128x512xf32> to vector<128xf32>
    %broadcast_in_dim3A_416 = vector.shape_cast %reduce_max3A_415 : vector<128xf32> to vector<128x1xf32>
    %eq3A_417 = vector.broadcast %broadcast_in_dim3A_416 : vector<128x1xf32> to vector<128x512xf32>
    %eq3A_418 = arith.cmpf oeq, %sub3A_413, %eq3A_417 : vector<128x512xf32>
    %jit3A_419 = arith.constant 512 : i32
    %broadcast_in_dim3A_420 = vector.broadcast %jit3A_419 : i32 to vector<128x512xi32>
    %select_n3A_421 = arith.select %eq3A_418, %iota3A, %broadcast_in_dim3A_420 : vector<128x512xi1>, vector<128x512xi32>
    %reduce_min3A_422 = arith.constant dense<2147483647> : vector<128xi32>
    %reduce_min3A_423 = vector.multi_reduction <minsi>, %select_n3A_421, %reduce_min3A_422 [1] : vector<128x512xi32> to vector<128xi32>
    %broadcast_in_dim3A_424 = vector.shape_cast %reduce_min3A_423 : vector<128xi32> to vector<128x1xi32>
    %add3A_425 = arith.constant 7168 : i32
    %add3A_426 = vector.broadcast %add3A_425 : i32 to vector<128x1xi32>
    %add3A_427 = arith.addi %broadcast_in_dim3A_424, %add3A_426 : vector<128x1xi32>
    %gt3A_428 = arith.cmpf ogt, %broadcast_in_dim3A_416, %select_n3A_401 : vector<128x1xf32>
    %select_n3A_429 = arith.select %gt3A_428, %add3A_427, %select_n3A_400 : vector<128x1xi1>, vector<128x1xi32>
    %select_n3A_430 = arith.select %gt3A_428, %broadcast_in_dim3A_416, %select_n3A_401 : vector<128x1xi1>, vector<128x1xf32>
    %get3A_431 = arith.constant 7680 : index
    %get3A_432 = arith.constant 0 : index
    %get3A_433 = vector.load %arg2[%get3A_431, %get3A_432] : memref<8192x32xbf16, #tpu.memory_space<vmem>>, vector<512x32xbf16>
    %dot_general3A_434 = arith.constant dense<0.000000e+00> : vector<128x512xf32>
    %dot_general3A_435 = tpu.matmul %convert_element_type3A, %get3A_433, %dot_general3A_434 {dimension_numbers = #tpu.dot_dimension_numbers<[1], [1], [0], [0], [0, 0, 1, 0], [], []>, transpose_lhs_hint = false} : vector<128x32xbf16>, vector<512x32xbf16>, vector<128x512xf32> -> vector<128x512xf32>
    %get3A_436 = arith.constant 15 : index
    %get3A_437 = arith.constant 0 : index
    %get3A_438 = vector.load %arg3[%get3A_436, %get3A_437] : memref<16x512xf32, #tpu.memory_space<vmem>>, vector<1x512xf32>
    %get3A_439 = vector.shape_cast %get3A_438 : vector<1x512xf32> to vector<512xf32>
    %broadcast_in_dim3A_440 = vector.shape_cast %get3A_439 : vector<512xf32> to vector<1x512xf32>
    %sub3A_441 = vector.broadcast %broadcast_in_dim3A_440 : vector<1x512xf32> to vector<128x512xf32>
    %sub3A_442 = arith.subf %dot_general3A_435, %sub3A_441 : vector<128x512xf32>
    %reduce_max3A_443 = arith.constant dense<0xFF800000> : vector<128xf32>
    %reduce_max3A_444 = vector.multi_reduction <maximumf>, %sub3A_442, %reduce_max3A_443 [1] : vector<128x512xf32> to vector<128xf32>
    %broadcast_in_dim3A_445 = vector.shape_cast %reduce_max3A_444 : vector<128xf32> to vector<128x1xf32>
    %eq3A_446 = vector.broadcast %broadcast_in_dim3A_445 : vector<128x1xf32> to vector<128x512xf32>
    %eq3A_447 = arith.cmpf oeq, %sub3A_442, %eq3A_446 : vector<128x512xf32>
    %jit3A_448 = arith.constant 512 : i32
    %broadcast_in_dim3A_449 = vector.broadcast %jit3A_448 : i32 to vector<128x512xi32>
    %select_n3A_450 = arith.select %eq3A_447, %iota3A, %broadcast_in_dim3A_449 : vector<128x512xi1>, vector<128x512xi32>
    %reduce_min3A_451 = arith.constant dense<2147483647> : vector<128xi32>
    %reduce_min3A_452 = vector.multi_reduction <minsi>, %select_n3A_450, %reduce_min3A_451 [1] : vector<128x512xi32> to vector<128xi32>
    %broadcast_in_dim3A_453 = vector.shape_cast %reduce_min3A_452 : vector<128xi32> to vector<128x1xi32>
    %add3A_454 = arith.constant 7680 : i32
    %add3A_455 = vector.broadcast %add3A_454 : i32 to vector<128x1xi32>
    %add3A_456 = arith.addi %broadcast_in_dim3A_453, %add3A_455 : vector<128x1xi32>
    %gt3A_457 = arith.cmpf ogt, %broadcast_in_dim3A_445, %select_n3A_430 : vector<128x1xf32>
    %select_n3A_458 = arith.select %gt3A_457, %add3A_456, %select_n3A_429 : vector<128x1xi1>, vector<128x1xi32>
    %select_n3A_459 = arith.select %gt3A_457, %broadcast_in_dim3A_445, %select_n3A_430 : vector<128x1xi1>, vector<128x1xf32>
    %swap3A = arith.constant 0 : index
    %swap3A_460 = arith.constant 0 : index
    %swap3A_461 = arith.constant 0 : index
    %swap3A_462 = vector.load %arg4[%swap3A, %swap3A_460, %swap3A_461] : memref<1x128x1xi32, #tpu.memory_space<vmem>>, vector<1x128x1xi32>
    %swap3A_463 = vector.shape_cast %swap3A_462 : vector<1x128x1xi32> to vector<128x1xi32>
    %swap3A_464 = vector.shape_cast %select_n3A_458 : vector<128x1xi32> to vector<1x128x1xi32>
    tpu.vector_store %arg4[%swap3A, %swap3A_460, %swap3A_461], %swap3A_464 {strides = array<i32>} : memref<1x128x1xi32, #tpu.memory_space<vmem>>, vector<1x128x1xi32>,
    %mul3A = arith.mulf %get3A_1, %get3A_1 : vector<128x32xf32>
    %reduce_sum3A = vector.shape_cast %mul3A : vector<128x32xf32> to vector<1x128x32xf32>
    %reduce_sum3A_465 = arith.constant dense<0.000000e+00> : vector<1xf32>
    %reduce_sum3A_466 = vector.multi_reduction <add>, %reduce_sum3A, %reduce_sum3A_465 [1, 2] : vector<1x128x32xf32> to vector<1xf32>
    %reduce_sum3A_467 = vector.shape_cast %reduce_sum3A_466 : vector<1xf32> to vector<1x1x1xf32>
    %reduce_sum3A_468 = vector.extract %reduce_sum3A_467[0, 0, 0] : f32 from vector<1x1x1xf32>
    %reduce_sum3A_469 = vector.shape_cast %select_n3A_459 : vector<128x1xf32> to vector<1x128x1xf32>
    %reduce_sum3A_470 = arith.constant dense<0.000000e+00> : vector<1xf32>
    %reduce_sum3A_471 = vector.multi_reduction <add>, %reduce_sum3A_469, %reduce_sum3A_470 [1, 2] : vector<1x128x1xf32> to vector<1xf32>
    %reduce_sum3A_472 = vector.shape_cast %reduce_sum3A_471 : vector<1xf32> to vector<1x1x1xf32>
    %reduce_sum3A_473 = vector.extract %reduce_sum3A_472[0, 0, 0] : f32 from vector<1x1x1xf32>
    %mul3A_474 = arith.constant 2.000000e+00 : f32
    %mul3A_475 = arith.mulf %mul3A_474, %reduce_sum3A_473 : f32
    %sub3A_476 = arith.subf %reduce_sum3A_468, %mul3A_475 : f32
    %eq3A_477 = arith.constant 0 : i32
    %eq3A_478 = arith.cmpi eq, %arg0, %eq3A_477 : i32
    %broadcast_in_dim3A_479 = arith.constant 0.000000e+00 : f32
    %broadcast_in_dim3A_480 = vector.broadcast %broadcast_in_dim3A_479 : f32 to vector<1x1xf32>
    %get3A_481 = arith.constant 0 : index
    %get3A_482 = arith.constant 0 : index
    %get3A_483 = vector.load %arg5[%get3A_481, %get3A_482] : memref<1x1xf32, #tpu.memory_space<vmem>>, vector<1x1xf32>
    %select_n3A_484 = arith.select %eq3A_478, %broadcast_in_dim3A_480, %get3A_483 : vector<1x1xf32>
    %add3A_485 = vector.broadcast %sub3A_476 : f32 to vector<1x1xf32>
    %add3A_486 = arith.addf %select_n3A_484, %add3A_485 : vector<1x1xf32>
    %eq3A_487 = arith.constant 48 : i32
    %eq3A_488 = arith.cmpi eq, %arg0, %eq3A_487 : i32
    %mul3A_489 = arith.constant 6.22807738E-6 : f32
    %mul3A_490 = vector.broadcast %mul3A_489 : f32 to vector<1x1xf32>
    %mul3A_491 = arith.mulf %add3A_486, %mul3A_490 : vector<1x1xf32>
    %select_n3A_492 = arith.select %eq3A_488, %mul3A_491, %add3A_486 : vector<1x1xf32>
    %swap3A_493 = arith.constant 0 : index
    %swap3A_494 = arith.constant 0 : index
    %swap3A_495 = vector.load %arg5[%swap3A_493, %swap3A_494] : memref<1x1xf32, #tpu.memory_space<vmem>>, vector<1x1xf32>
    tpu.vector_store %arg5[%swap3A_493, %swap3A_494], %select_n3A_492 {strides = array<i32>} : memref<1x1xf32, #tpu.memory_space<vmem>>, vector<1x1xf32>,
    return
  }
  func.func @transform_0(%arg0: i32) -> (i32, i32) {
    %c0_i32 = arith.constant 0 : i32
    %c0_i32_0 = arith.constant 0 : i32
    return %arg0, %c0_i32 : i32, i32
  }
  func.func @transform_1(%arg0: i32) -> (i32, i32) {
    %c0_i32 = arith.constant 0 : i32
    %c0_i32_0 = arith.constant 0 : i32
    %c0_i32_1 = arith.constant 0 : i32
    return %c0_i32, %c0_i32_0 : i32, i32
  }
  func.func @transform_2(%arg0: i32) -> (i32, i32) {
    %c0_i32 = arith.constant 0 : i32
    %c0_i32_0 = arith.constant 0 : i32
    %c0_i32_1 = arith.constant 0 : i32
    return %c0_i32, %c0_i32_0 : i32, i32
  }
  func.func @transform_3(%arg0: i32) -> (i32, i32, i32) {
    %c0_i32 = arith.constant 0 : i32
    %c0_i32_0 = arith.constant 0 : i32
    %c0_i32_1 = arith.constant 0 : i32
    return %arg0, %c0_i32, %c0_i32_0 : i32, i32, i32
  }
  func.func @transform_4(%arg0: i32) -> (i32, i32) {
    %c0_i32 = arith.constant 0 : i32
    %c0_i32_0 = arith.constant 0 : i32
    %c0_i32_1 = arith.constant 0 : i32
    return %c0_i32, %c0_i32_0 : i32, i32
  }
}

</mosaic_0001>

<sc_bundles>
// kernel: kernel.4.cloned.1.call-start
scs
__scs_entry_jumppad:
0x0: {  	(pc) =	sbr.rel $0x88, $3  }
0x1: {  	(tag) =	ssettag $0x0;
	lr =	simm.s32 $0x1  }
0x2: {  	[smem:$0x3F7D] =	sst lr;
	_ =	strace $0xD0000000  }
0x3: {  	_ = 	snop  }
0x4: {  	_ = 	snop  }
0x5: {  	_ = 	snop  }
0x6: {  	_ = 	snop  }
0x7: {  	_ = 	snop  }
__scs_overlays_trampoline_lowered:
0x8: {  	[smem:$0x3F8C] =	sst s0  }
0x9: {  	[smem:$0x3F8D] =	sst s1  }
0xa: {  	[smem:$0x3F8E] =	sst s2  }
0xb: {  	[smem:$0x3F8F] =	sst s3  }
0xc: {  	[smem:$0x3F90] =	sst s4  }
0xd: {  	[smem:$0x3F91] =	sst s5  }
0xe: {  	[smem:$0x3F92] =	sst s6  }
0xf: {  	[smem:$0x3F93] =	sst s7  }
0x10: {  	[smem:$0x3F94] =	sst s8  }
0x11: {  	[smem:$0x3F95] =	sst s9;
	s0 =	simm.s32 @!p0 $0x0  }
0x12: {  	s1 =	sld [smem:$0x3F7B];
	s0 =	simm.s32 @p0 $0x1  }
0x13: {  	[smem:$0x3F96] =	sst s0;
	s0 =	simm.s32 @!p1 $0x0  }
0x14: {  	s2 =	sld [smem:$0x3F7A];
	s0 =	simm.s32 @p1 $0x1  }
0x15: {  	[smem:$0x3F97] =	sst s0;
	s0 =	simm.s32 @!p2 $0x0  }
0x16: {  	s3 =	sld [smem:$0x3FDB];
	s0 =	simm.s32 @p2 $0x1  }
0x17: {  	s4 =	simm.s32 $0x1BF5;
	[smem:$0x3F99] =	sst s0  }
0x18: {  	s0 =	sld [smem:$0x3F7C];
	_ =	swait.ge [sflag:s4], $0x0  }
0x19: {  	s7 =	sld [smem:$0x3F7D]  }
0x1a: {  	s8 =	sadd.s32 $0xFFFFE003, lr  }
0x1b: {  	s9 =	sadd.s32 $0xFFFFFEF7, lr;
	s5 =	simm.s32 $0xFFFFFFFF;
	p2 =	slt.u32 s8, $0xFFFFF086  }
0x1c: {  	p1 =	slt.u32 s9, $0xF7A;
	s5 =	simm.s32 @!p2 $0x0  }
0x1d: {  	s5 =	simm.s32 @p1 $0x1;
	p0 =	seq.s32 s7, s2  }
0x1e: {  	s7 =	smul.u32 @!p0 $0xF7A, s2;
	p2 =	seq.s32 @!p0 s5, $0x0  }
0x1f: {  	s9 =	smul.u32 $0xF7A, s1;
	s8 =	simm.s32 @!p0 $0x1BF5;
	p2 =	por !p2, p0  }
0x20: {  	[sflag:s8] =	ssyncset.s32 @!p0 $0xFFFFF086;
	s6 =	sadd.s32 @!p0 s3, s7;
	s7 =	simm.s32 @!p0 $0x108  }
0x21: {  	s3 =	sadd.s32 s3, s9;
	s6 =	sadd.s32 @!p0 $0x88, s6;
	s7 =	simm.s32 @p2 $0x1082  }
0x22: {  	[simem:s7], [sflag:s8] =	dma.local @!p0 [hbm:s6], $0xF7A  }
0x23: {  	s9 =	sor.u32 $0xD0000000, s2;
	s6 =	simm.s32 $0x108;
	_ =	swait.ge @!p0 [sflag:s8], $0x0  }
0x24: {  	s3 =	sadd.s32 $0x88, s3;
	s6 =	simm.s32 @!p1 $0x1082;
	[sflag:s4] =	ssyncset.s32 $0xFFFFF086  }
0x25: {  	[simem:s6], [sflag:s4] =	dma.local [hbm:s3], $0xF7A  }
0x26: {  	[smem:$0x3F7D] =	sst s1;
	(tag) =	ssettag s2;
	_ =	strace s9  }
0x27: {  	s1 =	sld [smem:$0x3F8D]  }
0x28: {  	s2 =	sld [smem:$0x3F8E]  }
0x29: {  	s4 =	sld [smem:$0x3F90]  }
0x2a: {  	p0 =	seq.s32 s5, $0x0;
	s5 =	sld [smem:$0x3F91]  }
0x2b: {  	s6 =	sld [smem:$0x3F92]  }
0x2c: {  	s7 =	sld [smem:$0x3F93]  }
0x2d: {  	s3 =	simm.s32 $0x108;
	s8 =	sld [smem:$0x3F94]  }
0x2e: {  	s3 =	simm.s32 @!p0 $0x1082;
	s9 =	sld [smem:$0x3F95]  }
0x2f: {  	lr =	sadd.s32 s0, s3;
	s0 =	sld [smem:$0x3F8C]  }
0x30: {  	s3 =	sld [smem:$0x3F8F]  }
0x31: {  	[smem:$0x3F98] =	sst s10  }
0x32: {  	s10 =	sld [smem:$0x3F96];
	_ =	sdelay $0x3  }
0x33: {  	p0 =	seq.s32 s10, $0x1;
	s10 =	sld [smem:$0x3F98];
	_ =	sdelay $0x3  }
0x34: {  	[smem:$0x3F98] =	sst s10  }
0x35: {  	s10 =	sld [smem:$0x3F97];
	_ =	sdelay $0x3  }
0x36: {  	p1 =	seq.s32 s10, $0x1;
	s10 =	sld [smem:$0x3F98];
	_ =	sdelay $0x3  }
0x37: {  	[smem:$0x3F98] =	sst s10  }
0x38: {  	s10 =	sld [smem:$0x3F99]  }
0x39: {  	_ = 	snop;
	(pc) =	sbr.ind lr, $3  }
0x3a: {  	_ = 	snop  }
0x3b: {  	_ = 	snop  }
0x3c: {  	p2 =	seq.s32 s10, $0x1;
	s10 =	sld [smem:$0x3F98]  }
0x3d: {  	_ =	shalt  }
0x3e: {  	_ =	shalt  }
0x3f: {  	_ =	shalt  }
0x40: {  	_ =	shalt  }
0x41: {  	_ =	shalt  }
0x42: {  	_ =	shalt  }
0x43: {  	_ =	shalt  }
0x44: {  	_ =	shalt  }
0x45: {  	_ =	shalt  }
0x46: {  	_ =	shalt  }
0x47: {  	_ =	shalt  }
0x48: {  	_ =	shalt  }
0x49: {  	_ =	shalt  }
0x4a: {  	_ =	shalt  }
0x4b: {  	_ =	shalt  }
0x4c: {  	_ =	shalt  }
0x4d: {  	_ =	shalt  }
0x4e: {  	_ =	shalt  }
0x4f: {  	_ =	shalt  }
0x50: {  	_ =	shalt  }
0x51: {  	_ =	shalt  }
0x52: {  	_ =	shalt  }
0x53: {  	_ =	shalt  }
0x54: {  	_ =	shalt  }
0x55: {  	_ =	shalt  }
0x56: {  	_ =	shalt  }
0x57: {  	_ =	shalt  }
0x58: {  	_ =	shalt  }
0x59: {  	_ =	shalt  }
0x5a: {  	_ =	shalt  }
0x5b: {  	_ =	shalt  }
0x5c: {  	_ =	shalt  }
0x5d: {  	_ =	shalt  }
0x5e: {  	_ =	shalt  }
0x5f: {  	_ =	shalt  }
0x60: {  	_ =	shalt  }
0x61: {  	_ =	shalt  }
0x62: {  	_ =	shalt  }
0x63: {  	_ =	shalt  }
0x64: {  	_ =	shalt  }
0x65: {  	_ =	shalt  }
0x66: {  	_ =	shalt  }
0x67: {  	_ =	shalt  }
0x68: {  	_ =	shalt  }
0x69: {  	_ =	shalt  }
0x6a: {  	_ =	shalt  }
0x6b: {  	_ =	shalt  }
0x6c: {  	_ =	shalt  }
0x6d: {  	_ =	shalt  }
0x6e: {  	_ =	shalt  }
0x6f: {  	_ =	shalt  }
0x70: {  	_ =	shalt  }
0x71: {  	_ =	shalt  }
0x72: {  	_ =	shalt  }
0x73: {  	_ =	shalt  }
0x74: {  	_ =	shalt  }
0x75: {  	_ =	shalt  }
0x76: {  	_ =	shalt  }
0x77: {  	_ =	shalt  }
0x78: {  	_ =	shalt  }
0x79: {  	_ =	shalt  }
0x7a: {  	_ =	shalt  }
0x7b: {  	_ =	shalt  }
0x7c: {  	_ =	shalt  }
0x7d: {  	_ =	shalt  }
0x7e: {  	_ =	shalt  }
0x7f: {  	_ =	shalt  }
0x80: {  	_ =	shalt  }
0x81: {  	_ =	shalt  }
0x82: {  	_ =	shalt  }
0x83: {  	_ =	shalt  }
0x84: {  	_ =	shalt  }
0x85: {  	_ =	shalt  }
0x86: {  	_ =	shalt  }
0x87: {  	_ =	shalt  }
.Lfunc_end0:
.L_simem_size_0:
called_computation_lowered:
.L_overlay_start_0:
0x88: {  	s2 =	sld [smem:$0x3FD9]  }
0x89: {  	s3 =	sld [smem:$0x3FFE];
	_ =	sdelay $0x1  }
0x8a: {  	s1 =	srdreg.scid  }
0x8b: {  	s0 =	sand.u32 $0x1, s1  }
0x8c: {  	s14 =	sshll.u32 s0, $0xA;
	s2 =	sadd.s32 s3, s2  }
0x8d: {  	s2 =	sadd.s32 s2, s14  }
0x8e: {  	[smem:$0x3FA4] =	sst s2  }
0x8f: {  	_ = 	snop  }
0x90: {  	s2 =	sld [smem:$0x3FD0];
	_ =	sdelay $0x2  }
0x91: {  	s15 =	simm.s32 $0xA;
	s4 =	simm.s32 $0x10  }
0x92: {  	[smem:s4], [sflag:s15] =	dma.local [hbm:s2], $0x1  }
0x93: {  	_ =	swait.eq [sflag:s15], $0x1  }
0x94: {  	[sflag:s15] =	ssyncset.done $0x0  }
0x95: {  	[sflag:s15] =	ssyncadd.s32 $0xFFFFFFFF  }
0x96: {  	s16 =	sld [smem:$0x10];
	(tm) =	ssettm $0x1  }
0x97: {  	s17 =	sld [smem:$0x3FFB];
	_ =	sdelay $0x3  }
0x98: {  	_ =	strace s17  }
0x99: {  	s3 =	sld [smem:$0x3FFC];
	_ =	sdelay $0x3  }
0x9a: {  	_ =	strace s3  }
0x9b: {  	s3 =	sld [smem:$0x3FFD];
	_ =	sdelay $0x3  }
0x9c: {  	_ =	strace s3  }
0x9d: {  	_ =	strace $0x8FFFFFFF  }
0x9e: {  	s18 =	sld [smem:$0x3FDB];
	_ =	sdelay $0x1  }
0x9f: {  	s19 =	simm.s32 $_scs_section_size  }
0xa0: {  	s5 =	simm.s32 $_size__tile_overlayer_lowered;
	s6 =	simm.s32 $_tile_overlayer_lowered  }
0xa1: {  	s22 =	simm.s32 $0x1BFF;
	s21 =	sshll.u32 s6, $0x1;
	s3 =	sadd.s32 s19, s18  }
0xa2: {  	s7 =	simm.s32 $0x0;
	s20 =	sshll.u32 s5, $0x1;
	s5 =	sadd.s32 s21, s3  }
0xa3: {  	[timem:s7], [sflag:s22] =	dma.local [hbm:s5], s20  }
0xa4: {  	_ =	swait.ge [sflag:s22], s20  }
0xa5: {  	s4 =	ssub.s32 $0x0, s20;
	[sflag:s22] =	ssyncset.done $0x0  }
0xa6: {  	[sflag:s22] =	ssyncadd.s32 s4;
	_ =	sdelay $0x1  }
0xa7: {  	s23 =	simm.s32 $0x1B8B  }
0xa8: {  	_ =	swait.ge [sflag:s23], $0x1  }
0xa9: {  	[sflag:s23] =	ssyncset.done $0x0  }
0xaa: {  	s25 =	simm.s32 $0x1B8E;
	s24 =	sld [smem:$0x3FFE];
	[sflag:s23] =	ssyncadd.s32 $0xFFFFFFFF  }
0xab: {  	s26 =	simm.s32 $execute0_lowered;
	[smem:$0x3FD2] =	sst s25  }
0xac: {  	s5 =	sshll.u32 s26, $0x1;
	_ =	strace $0x80000046;
	[dreg:$0x1] =	wrdreg $0xFFFFFFFF  }
0xad: {  	s28 =	simm.s32 $_size_execute0_lowered;
	s3 =	sadd.s32 s3, s5;
	[dreg:$0x0] =	wrdreg $0x0  }
0xae: {  	s5 =	sshll.u32 s28, $0x1;
	[dreg:$0x2] =	wrdreg s3  }
0xaf: {  	[dreg:$0x3] =	wrdreg s5  }
0xb0: {  	[dreg:$0x4] =	wrdreg $0xC0  }
0xb1: {  	_ =	task [dreg:s7], $0x5FFFF  }
0xb2: {  	[dreg:$0x1] =	wrdreg $0xFFFFFFFF  }
0xb3: {  	[dreg:$0x0] =	wrdreg $0x60  }
0xb4: {  	[dreg:$0x2] =	wrdreg s16  }
0xb5: {  	[dreg:$0x3] =	wrdreg s24  }
0xb6: {  	[dreg:$0x4] =	wrdreg $0x9  }
0xb7: {  	_ =	task.clear_ibuf [dreg:s7], $0x5FFFF;
	_ =	strace $0x90000046  }
0xb8: {  	s29 =	simm.s32 $0x9;
	_ =	strace $0x80000048  }
0xb9: {  	_ =	swait.ge [sflag:s29], $0x1  }
0xba: {  	[sflag:s29] =	ssyncadd.s32 $0xFFFFFFFF  }
0xbb: {  	_ =	strace $0x90000048  }
0xbc: {  	_ =	sfence  }
0xbd: {  	s30 =	sld [smem:$0x0];
	_ =	sdelay $0x2  }
0xbe: {  	s31 =	sshll.u32 s1, $0xD;
	s1 =	sshrl.u32 s1, $0x2  }
0xbf: {  	s3 =	sand.u32 $0x4000, s31;
	s1 =	sadd.s32 s1, s30  }
0xc0: {  	s0 =	sor.u32 s3, s0;
	s1 =	sshll.u32 s1, $0x11  }
0xc1: {  	s0 =	sor.u32 s1, s0  }
0xc2: {  	s0 =	sadd.s32 $0x8F2B, s0  }
0xc3: {  	[sflag:s0] =	ssyncadd.remote.s32 $0x1  }
0xc4: {  	_ =	sfence.sel $0xFFFF  }
0xc5: {  	[dreg:$0x0] =	wrdreg $0xFFFFFFFF;
	(pc) =	sbr.abs _section_cstart, $3  }
0xc6: {  	[dreg:$0x1] =	wrdreg $0xFFFFFFFF  }
0xc7: {  	_ =	task.clear_ibuf [dreg:s7], $0x2FFFF;
	_ =	strace $0x9FFFFFFF  }
0xc8: {  	(tm) =	ssettm $0x7FFFFFFF  }
0xc9: {  	_ =	shalt  }
tec
execute0_lowered:
.L_overlay_start_1:
0x0: {  	(tag) =	ssettag $0x1  }
0x1: {  	s2 =	rddreg [dreg:$0x0]  }
0x2: {  	s1 =	srdreg.scid;
	s0 =	stileid.u32  }
0x3: {  	s10 =	rddreg [dreg:$0x1];
	s11 =	sand.u32 $0x1, s1;
	s4 =	sshll.u32 s0, $0x1  }
0x4: {  	s3 =	simm.s32 $0x0;
	s1 =	rddreg [dreg:$0x2];
	s12 =	sor.u32 s11, s4  }
0x5: {  	[smem:$0x7FF] =	sst s3;
	s4 =	sshll.u32 s12, $0x5  }
0x6: {  	_ =	strace $0x80000047;
	s5 =	sadd.s32 s10, s4;
	s4 =	simm.s32 $0x2  }
0x7: {  	[tilespmem:s3], [sflag:$0x2] =	stream.linear.gather [hbm4b:s5+s3], $0x100, $0x38;
	[tilespmem:$0x2100] =	vst v63  }
0x8: {  	_ =	swait.ge [sflag:s4], $0x100  }
0x9: {  	[sflag:s4] =	ssyncset.done $0x0  }
0xa: {  	s6 =	simm.s32 $0x80;
	s7 =	simm.s32 $0x100;
	[sflag:s4] =	ssyncadd.s32 $0xFFFFFF00  }
0xb: {  	[tilespmem:s7], [sflag:$0x1] =	stream.indirect.gather [hbm4b:s2+s6], $0x20, s3, s6, $0xb8;
	[tilespmem:$0x2100] =	vst v63  }
0xc: {  	s8 =	simm.s32 $0x1100;
	s9 =	simm.s32 $0x1  }
0xd: {  	[tilespmem:s8], [sflag:$0x1] =	stream.indirect.gather [hbm4b:s2+s6], $0x20, s6, s6, $0xb8;
	[tilespmem:$0x2100] =	vst v63  }
0xe: {  	s12 =	sshll.u32 s12, $0xA;
	_ =	swait.ge [sflag:s9], $0x1000  }
0xf: {  	s12 =	sadd.s32 s12, s10;
	[sflag:s9] =	ssyncset.done $0x0  }
0x10: {  	s11 =	ssub.s32 $0x2, s11;
	s10 =	sadd.s32 $0x400, s12;
	[sflag:s9] =	ssyncadd.s32 $0xFFFFF000  }
0x11: {  	[hbm4b:s10+s3] =	stream.linear.scatter [tilespmem:s7], [sflag:$0x2], $0x1000, $0x38;
	[tilespmem:$0x2100] =	vst v63  }
0x12: {  	s13 =	sshrl.u32 s11, $0x1;
	_ =	swait.ge [sflag:s4], $0x1000  }
0x13: {  	s13 =	ssub.s32 s11, s13;
	[sflag:s4] =	ssyncset.done $0x0  }
0x14: {  	s31 =	smax.u32 s13, $0x1;
	[sflag:s4] =	ssyncadd.s32 $0xFFFFF000  }
0x15: {  	p0 =	sne.s32 s31, $0x1;
	_ =	swait.ge [sflag:s9], $0x1000  }
.Ltmp0:
0x16: {  	[sflag:s9] =	ssyncset.done $0x0;
	(pc) =	sbr.rel @!p0 .LBB2_2-.Ltmp0, $4  }
0x17: {  	s11 =	sadd.s32 $0x600, s12;
	[sflag:s9] =	ssyncadd.s32 $0xFFFFF000  }
0x18: {  	[hbm4b:s11+s3] =	stream.linear.scatter [tilespmem:s8], [sflag:$0x2], $0x1000, $0x38;
	[tilespmem:$0x2100] =	vst v63  }
0x19: {  	_ =	swait.ge [sflag:s4], $0x1000  }
0x1a: {  	s12 =	sadd.s32 $0xFFFFFFFF, s31;
	[sflag:s4] =	ssyncset.done $0x0  }
.LBB2_1:
0x1b: {  	p0 =	sne.s32 s12, $0x1;
	s12 =	sadd.s32 $0xFFFFFFFF, s12;
	[sflag:s4] =	ssyncadd.s32 $0xFFFFF000  }
0x1c: {  	[tilespmem:s3], [sflag:$0x2] =	stream.linear.gather [hbm4b:s5+s3], $0x100, $0x38;
	[tilespmem:$0x2100] =	vst v63  }
0x1d: {  	_ =	swait.ge [sflag:s4], $0x100  }
0x1e: {  	[sflag:s4] =	ssyncset.done $0x0  }
0x1f: {  	[sflag:s4] =	ssyncadd.s32 $0xFFFFFF00  }
0x20: {  	[tilespmem:s7], [sflag:$0x1] =	stream.indirect.gather [hbm4b:s2+s6], $0x20, s3, s6, $0xb8;
	[tilespmem:$0x2100] =	vst v63  }
0x21: {  	_ = 	snop  }
0x22: {  	[tilespmem:s8], [sflag:$0x1] =	stream.indirect.gather [hbm4b:s2+s6], $0x20, s6, s6, $0xb8;
	[tilespmem:$0x2100] =	vst v63  }
0x23: {  	_ =	swait.ge [sflag:s9], $0x1000  }
0x24: {  	[sflag:s9] =	ssyncset.done $0x0  }
0x25: {  	[sflag:s9] =	ssyncadd.s32 $0xFFFFF000  }
0x26: {  	[hbm4b:s10+s3] =	stream.linear.scatter [tilespmem:s7], [sflag:$0x2], $0x1000, $0x38;
	[tilespmem:$0x2100] =	vst v63  }
0x27: {  	_ =	swait.ge [sflag:s4], $0x1000  }
0x28: {  	[sflag:s4] =	ssyncset.done $0x0  }
0x29: {  	[sflag:s4] =	ssyncadd.s32 $0xFFFFF000  }
0x2a: {  	_ =	swait.ge [sflag:s9], $0x1000  }
.Ltmp1:
0x2b: {  	[sflag:s9] =	ssyncset.done $0x0;
	(pc) =	sbr.rel @p0 .LBB2_1-.Ltmp1, $4  }
0x2c: {  	[sflag:s9] =	ssyncadd.s32 $0xFFFFF000  }
0x2d: {  	[hbm4b:s11+s3] =	stream.linear.scatter [tilespmem:s8], [sflag:$0x2], $0x1000, $0x38;
	[tilespmem:$0x2100] =	vst v63  }
0x2e: {  	_ =	swait.ge [sflag:s4], $0x1000  }
0x2f: {  	[sflag:s4] =	ssyncset.done $0x0  }
.LBB2_2:
0x30: {  	[sflag:s4] =	ssyncadd.s32 $0xFFFFF000  }
0x31: {  	_ =	sfence.sel $0x180000  }
0x32: {  	[bflag:$0x0] =	sbarrier.arrive $0xFFFF  }
0x33: {  	p0 =	sne.s32 s0, $0x0;
	_ =	strace $0x90000047  }
0x34: {  	s0 =	sadd.s32 @!p0 $0x100000, s1;
	[bflag:$0x2] =	sbarrier.arrive $0xFFFF  }
0x35: {  	[sflag:s0] =	ssyncadd.tile.s32 @!p0 $0x1;
	_ =	shalt  }
.Lfunc_end2:
_tile_overlayer_lowered:
.L_overlay_start_2:
0x36: {  	(tag) =	ssettag $0x2  }
0x37: {  	s0 =	rddreg [dreg:$0x0];
	s2 =	stileid.u32  }
0x38: {  	s1 =	rddreg [dreg:$0x1];
	p0 =	sne.s32 s2, $0x0  }
0x39: {  	s3 =	rddreg [dreg:$0x2];
	[bflag:$0x3] =	sbarrier.arrive $0xFFFF;
	s2 =	simm.s32 @!p0 $0x1C02  }
0x3a: {  	[timem:s3], [sflag:s2] =	dma.local @!p0 [hbm:s0], s1  }
0x3b: {  	s0 =	simm.s32 @!p0 $0x2  }
0x3c: {  	_ =	swait.ge @!p0 [sflag:s0], s1  }
0x3d: {  	s1 =	ssub.s32 @!p0 $0x0, s1;
	[sflag:s0] =	ssyncset.done @!p0 $0x0  }
0x3e: {  	[sflag:s0] =	ssyncadd.s32 @!p0 s1  }
0x3f: {  	[bflag:$0x3] =	sbarrier.arrive $0xFFFF  }
0x40: {  	_ =	shalt  }

</sc_bundles>
